<compile_context>
chip_gen: v7x
topology: tpu7x:2x2x1
jax: 0.10.2.dev20260603
libtpu: 0.0.44.dev20260713+nightly
codegen_flags: <defaults>
</compile_context>

<pallas_src>
import functools

import jax
import jax.numpy as jnp
from jax import lax
from jax.experimental import pallas as pl
from jax.experimental.pallas import tpu as pltpu
from jax.experimental.pallas import tpu_sc as plsc

N = 10000
D = 128
E = 320000
NPAD = 10240
NC = 2
NS = 16
NW = NC * NS
EW = E // NW
RPT = NPAD // NS

@functools.lru_cache(maxsize=None)
def _mesh():
    return plsc.VectorSubcoreMesh(core_axis_name="c", subcore_axis_name="s")


@functools.lru_cache(maxsize=None)
def _make_deg_kernel():
    chunk, k = 125, 80

    @functools.partial(
        pl.kernel,
        out_type=jax.ShapeDtypeStruct((NC, NPAD, 16), jnp.float32),
        scratch_types=[
            pltpu.VMEM((k, chunk), jnp.int32),
            pltpu.VMEM((chunk, 16), jnp.float32),
            pltpu.VMEM_SHARED((NPAD, 16), jnp.float32),
            pltpu.SemaphoreType.DMA,
            pltpu.SemaphoreType.DMA,
        ],
        mesh=_mesh(),
        compiler_params=pltpu.CompilerParams(use_tc_tiling_on_sc=False),
    )
    def deg_kernel(ei_hbm, ones_hbm, zeros_hbm, out_hbm, dst_v, ones_v, acc,
                   sem0, sem1):
        c = lax.axis_index("c")
        s = lax.axis_index("s")
        wid = s * NC + c
        pltpu.sync_copy(ei_hbm.at[1, wid], dst_v)
        pltpu.sync_copy(ones_hbm, ones_v)
        pltpu.sync_copy(zeros_hbm, acc.at[pl.ds(s * RPT, RPT)])
        plsc.subcore_barrier()
        sems = (sem0, sem1)

        pltpu.async_copy(ones_v, acc.at[dst_v.at[0]], sem0, add=True)
        pltpu.async_copy(ones_v, acc.at[dst_v.at[1]], sem1, add=True)

        def outer(g, carry):
            for bb in range(2):
                j = 2 + 2 * g + bb
                pltpu.make_async_copy(ones_v, acc.at[dst_v.at[j - 2]],
                                      sems[bb]).wait()
                pltpu.async_copy(ones_v, acc.at[dst_v.at[j]], sems[bb],
                                 add=True)
            return carry

        lax.fori_loop(0, (k - 2) // 2, outer, 0)
        pltpu.make_async_copy(ones_v, acc.at[dst_v.at[k - 2]], sem0).wait()
        pltpu.make_async_copy(ones_v, acc.at[dst_v.at[k - 1]], sem1).wait()
        plsc.subcore_barrier()
        pltpu.sync_copy(acc.at[pl.ds(s * RPT, RPT)],
                        out_hbm.at[c, pl.ds(s * RPT, RPT)])

    return deg_kernel


@functools.lru_cache(maxsize=None)
def _make_agg_kernel(w, chunk, nbuf, stage_src=False):
    k = EW // chunk

    @functools.partial(
        pl.kernel,
        out_type=jax.ShapeDtypeStruct((NC, NPAD, w), jnp.float32),
        scratch_types=[
            pltpu.VMEM((k, chunk), jnp.int32),
            pltpu.VMEM((k, chunk), jnp.int32),
        ] + [pltpu.VMEM((chunk, w), jnp.float32) for _ in range(nbuf)]
          + [pltpu.VMEM_SHARED((NPAD, w), jnp.float32)]
          + ([pltpu.VMEM_SHARED((N, w), jnp.float32)] if stage_src else [])
          + [pltpu.SemaphoreType.DMA for _ in range(nbuf)],
        mesh=_mesh(),
        compiler_params=pltpu.CompilerParams(use_tc_tiling_on_sc=False),
    )
    def agg_kernel(ei_hbm, g_hbm, zeros_hbm, out_hbm, src_v, dst_v, *rest):
        bufs = rest[:nbuf]
        acc = rest[nbuf]
        if stage_src:
            gsrc = rest[nbuf + 1]
            sems = rest[nbuf + 2:]
        else:
            gsrc = g_hbm
            sems = rest[nbuf + 1:]
        c = lax.axis_index("c")
        s = lax.axis_index("s")
        wid = s * NC + c
        pltpu.sync_copy(ei_hbm.at[0, wid], src_v)
        pltpu.sync_copy(ei_hbm.at[1, wid], dst_v)
        pltpu.sync_copy(zeros_hbm, acc.at[pl.ds(s * RPT, RPT)])
        if stage_src:
            pltpu.sync_copy(g_hbm.at[pl.ds(s * (N // NS), N // NS)],
                            gsrc.at[pl.ds(s * (N // NS), N // NS)])
        plsc.subcore_barrier()

        for b in range(nbuf):
            pltpu.async_copy(gsrc.at[src_v.at[b]], bufs[b], sems[b])

        def outer(g, carry):
            for b in range(nbuf):
                j = g * nbuf + b
                pltpu.make_async_copy(gsrc.at[src_v.at[j]], bufs[b],
                                      sems[b]).wait()
                pltpu.sync_copy(bufs[b], acc.at[dst_v.at[j]], add=True)
                pltpu.async_copy(gsrc.at[src_v.at[j + nbuf]], bufs[b],
                                 sems[b])
            return carry

        lax.fori_loop(0, k // nbuf - 1, outer, 0)
        for b in range(nbuf):
            j = k - nbuf + b
            pltpu.make_async_copy(gsrc.at[src_v.at[j]], bufs[b],
                                  sems[b]).wait()
            pltpu.sync_copy(bufs[b], acc.at[dst_v.at[j]], add=True)

        plsc.subcore_barrier()
        pltpu.sync_copy(acc.at[pl.ds(s * RPT, RPT)],
                        out_hbm.at[c, pl.ds(s * RPT, RPT)])

    return agg_kernel


_B = 2000
_GRID = N // _B


def _dinv_from_parts(degp):
    d0 = degp[0, :, 0:1]
    d1 = degp[1, :, 0:1]
    return lax.rsqrt(d0 + d1 + 1.0)


def _tc_a_body(x_ref, w_ref, degp_ref, g_ref):
    dinv = _dinv_from_parts(degp_ref[...])
    h = jnp.dot(x_ref[...], w_ref[...], preferred_element_type=jnp.float32)
    g_ref[...] = h * dinv


def _tc_b_body(aggp_ref, g_ref, degp_ref, b1_ref, w2_ref, gp_ref):
    dinv = _dinv_from_parts(degp_ref[...])
    a = aggp_ref[0] + aggp_ref[1] + g_ref[...]
    out1 = jnp.maximum(dinv * a + b1_ref[...], 0.0)
    p = jnp.dot(out1, w2_ref[...], preferred_element_type=jnp.float32)
    gp_ref[...] = p * dinv


def _tc_c_body(aggp_ref, gp_ref, degp_ref, b2_ref, out_ref):
    dinv = _dinv_from_parts(degp_ref[...])
    a = aggp_ref[0] + aggp_ref[1] + gp_ref[...]
    z = dinv * a + b2_ref[...]
    out_ref[...] = 1.0 / (1.0 + jnp.exp(-z))


def _row_spec(width):
    return pl.BlockSpec((_B, width), lambda i: (i, 0))


def _part_spec(width):
    return pl.BlockSpec((NC, _B, width), lambda i: (0, i, 0))


_tc_a = pl.pallas_call(
    _tc_a_body,
    grid=(_GRID,),
    in_specs=[_row_spec(D),
              pl.BlockSpec((D, D), lambda i: (0, 0)),
              _part_spec(16)],
    out_specs=_row_spec(D),
    out_shape=jax.ShapeDtypeStruct((N, D), jnp.float32),
)

_tc_b = pl.pallas_call(
    _tc_b_body,
    grid=(_GRID,),
    in_specs=[_part_spec(D),
              _row_spec(D),
              _part_spec(16),
              pl.BlockSpec((1, D), lambda i: (0, 0)),
              pl.BlockSpec((D, 16), lambda i: (0, 0))],
    out_specs=_row_spec(16),
    out_shape=jax.ShapeDtypeStruct((N, 16), jnp.float32),
)

_tc_c = pl.pallas_call(
    _tc_c_body,
    grid=(_GRID,),
    in_specs=[_part_spec(16),
              _row_spec(16),
              _part_spec(16),
              pl.BlockSpec((1, 16), lambda i: (0, 0))],
    out_specs=_row_spec(16),
    out_shape=jax.ShapeDtypeStruct((N, 16), jnp.float32),
)


def kernel(x, edge_index, W1, b1, W2, b2):
    ei = edge_index.astype(jnp.int32)
    ei_125 = ei.reshape(2, NW, 80, 125)
    ei_50 = ei.reshape(2, NW, 200, 50)
    ei_100 = ei.reshape(2, NW, 100, 100)
    ones16 = jnp.ones((125, 16), jnp.float32)
    zeros16 = jnp.zeros((RPT, 16), jnp.float32)
    zeros128 = jnp.zeros((RPT, D), jnp.float32)

    degp = _make_deg_kernel()(ei_125, ones16, zeros16)
    g1 = _tc_a(x, W1, degp)
    agg1p = _make_agg_kernel(D, 50, 4)(ei_50, g1, zeros128)

    w2p = jnp.zeros((D, 16), jnp.float32).at[:, :2].set(W2)
    b1r = b1.reshape(1, D)
    gp = _tc_b(agg1p, g1, degp, b1r, w2p)

    agg2p = _make_agg_kernel(16, 100, 4, stage_src=True)(ei_100, gp, zeros16)
    b2p = jnp.zeros((1, 16), jnp.float32).at[0, :2].set(b2)
    out = _tc_c(agg2p, gp, degp, b2p)
    return out[:, :2]

# --- scband reference (transcript-rebuilt; emitter-appended) ---
"""Pipeline reference for scband-transaction-gnn-37503654428836 (READ-ONLY COPY).

The authoritative reference and input builder live on the scoring server;
editing this copy changes nothing except your own understanding.
"""

import jax, jax.numpy as jnp
import numpy as np

NUM_NODES = 10000
D_FEAT = 128
HIDDEN = 128
NUM_CLASSES = 2
NUM_EDGES = 320000


def gcn_conv(x, edge_index, W, b):
    # GCNConv: linear transform, then symmetric-normalized aggregation with self-loops
    n = x.shape[0]
    h = x @ W
    src = edge_index[0]
    dst = edge_index[1]
    loop = jnp.arange(n, dtype=src.dtype)
    src = jnp.concatenate([src, loop])
    dst = jnp.concatenate([dst, loop])
    deg = jnp.zeros((n,), dtype=h.dtype).at[dst].add(1.0)
    deg_inv_sqrt = jnp.where(deg > 0, deg ** -0.5, 0.0)
    norm = deg_inv_sqrt[src] * deg_inv_sqrt[dst]
    msgs = h[src] * norm[:, None]
    out = jnp.zeros_like(h).at[dst].add(msgs)
    return out + b


def setup_inputs(seed: int = 0) -> dict:
    key = jax.random.key(seed)
    k1, k2, k3, k4, k5, k6 = jax.random.split(key, 6)
    x = jax.random.normal(k1, (NUM_NODES, D_FEAT), dtype=jnp.float32)
    edge_index = jax.random.randint(k2, (2, NUM_EDGES), 0, NUM_NODES, dtype=jnp.int64)
    s1 = 1.0 / np.sqrt(D_FEAT)
    s2 = 1.0 / np.sqrt(HIDDEN)
    W1 = jax.random.uniform(k3, (D_FEAT, HIDDEN), dtype=jnp.float32, minval=-s1, maxval=s1)
    b1 = jnp.zeros((HIDDEN,), dtype=jnp.float32)
    W2 = jax.random.uniform(k4, (HIDDEN, NUM_CLASSES), dtype=jnp.float32, minval=-s2, maxval=s2)
    b2 = jnp.zeros((NUM_CLASSES,), dtype=jnp.float32)
    return {"x": x, "edge_index": edge_index, "W1": W1, "b1": b1, "W2": W2, "b2": b2}


def reference(x, edge_index, W1, b1, W2, b2):
    h = jax.nn.relu(gcn_conv(x, edge_index, W1, b1))
    # F.dropout with training=False is identity (eval mode)
    out = gcn_conv(h, edge_index, W2, b2)
    return jax.nn.sigmoid(out)

if __name__ == "__main__":
    import jax
    _d = setup_inputs()
    print(jax.jit(kernel)(*tuple(_d.values())))

</pallas_src>

<mosaic_0001>
#map = affine_map<(d0, d1) -> (0, 0, 0, 0)>
#map1 = affine_map<(d0, d1) -> (0, 0)>
#map2 = affine_map<(d0, d1) -> (0, 0, 0)>
module attributes {stable_mosaic.version = 14 : i64} {
  func.func @deg_kernel(%arg0: i32, %arg1: i32, %arg2: memref<2x32x80x125xi32, #tpu.memory_space<hbm>>, %arg3: memref<125x16xf32, #tpu.memory_space<hbm>>, %arg4: memref<640x16xf32, #tpu.memory_space<hbm>>, %arg5: memref<2x10240x16xf32, #tpu.memory_space<hbm>>, %arg6: memref<80x125xi32, #tpu.memory_space<vmem>>, %arg7: memref<125x16xf32, #tpu.memory_space<vmem>>, %arg8: memref<10240x16xf32, #tpu.memory_space<vmem_shared>>, %arg9: memref<!tpu.dma_semaphore, #tpu.memory_space<semaphore_mem>>, %arg10: memref<!tpu.dma_semaphore, #tpu.memory_space<semaphore_mem>>) attributes {dimension_semantics = [#tpu.dimension_semantics<core_parallel>, #tpu.dimension_semantics<subcore_parallel>], iteration_bounds = array<i64: 2, 16>, scalar_prefetch = 0 : i64, scratch_operands = 5 : i64, tpu.core_type = #tpu.core_type<sc_vector_subcore>, window_params = [{transform_indices = #map}, {transform_indices = #map1}, {transform_indices = #map1}, {transform_indices = #map2}]} {
    %mul3A = arith.constant 2 : i32
    %mul3A_0 = arith.muli %arg1, %mul3A : i32
    %add3A = arith.addi %mul3A_0, %arg0 : i32
    %run_scoped3A = arith.constant 1 : i32
    "tpu.region"() ({
      %run_scoped3A_39 = tpu.sem_alloc : memref<!tpu.dma_semaphore, #tpu.memory_space<semaphore_mem>>
      %dma_start3A_40 = arith.constant 0 : i32
      %dma_start3A_41 = arith.constant 0 : i32
      %dma_start3A_42 = tpu.memref_slice %arg2[%run_scoped3A, %add3A, %dma_start3A_40, %dma_start3A_41] : memref<2x32x80x125xi32, #tpu.memory_space<hbm>> -> memref<1x1x80x125xi32, #tpu.memory_space<hbm>>
      %dma_start3A_43 = tpu.memref_squeeze %dma_start3A_42 : memref<1x1x80x125xi32, #tpu.memory_space<hbm>> -> memref<80x125xi32, #tpu.memory_space<hbm>>
      %dma_start3A_44 = arith.constant 0 : i32
      %dma_start3A_45 = arith.constant 0 : i32
      %dma_start3A_46 = tpu.memref_slice %arg2[%run_scoped3A, %add3A, %dma_start3A_44, %dma_start3A_45] : memref<2x32x80x125xi32, #tpu.memory_space<hbm>> -> memref<1x1x80x125xi32, #tpu.memory_space<hbm>>
      %dma_start3A_47 = tpu.memref_squeeze %dma_start3A_46 : memref<1x1x80x125xi32, #tpu.memory_space<hbm>> -> memref<80x125xi32, #tpu.memory_space<hbm>>
      tpu.enqueue_dma source(%dma_start3A_47 : memref<80x125xi32, #tpu.memory_space<hbm>>) target(%arg6 : memref<80x125xi32, #tpu.memory_space<vmem>>) target_semaphore(%run_scoped3A_39 : memref<!tpu.dma_semaphore, #tpu.memory_space<semaphore_mem>>)
      %dma_wait3A_48 = arith.constant 0 : i32
      %dma_wait3A_49 = arith.constant 0 : i32
      %dma_wait3A_50 = tpu.memref_slice %arg2[%run_scoped3A, %add3A, %dma_wait3A_48, %dma_wait3A_49] : memref<2x32x80x125xi32, #tpu.memory_space<hbm>> -> memref<1x1x80x125xi32, #tpu.memory_space<hbm>>
      %dma_wait3A_51 = tpu.memref_squeeze %dma_wait3A_50 : memref<1x1x80x125xi32, #tpu.memory_space<hbm>> -> memref<80x125xi32, #tpu.memory_space<hbm>>
      %dma_wait3A_52 = arith.constant 0 : i32
      %dma_wait3A_53 = arith.constant 0 : i32
      %dma_wait3A_54 = tpu.memref_slice %arg2[%run_scoped3A, %add3A, %dma_wait3A_52, %dma_wait3A_53] : memref<2x32x80x125xi32, #tpu.memory_space<hbm>> -> memref<1x1x80x125xi32, #tpu.memory_space<hbm>>
      %dma_wait3A_55 = tpu.memref_squeeze %dma_wait3A_54 : memref<1x1x80x125xi32, #tpu.memory_space<hbm>> -> memref<80x125xi32, #tpu.memory_space<hbm>>
      tpu.wait_dma2 semaphore(%run_scoped3A_39 : memref<!tpu.dma_semaphore, #tpu.memory_space<semaphore_mem>>) src(%dma_wait3A_55 : memref<80x125xi32, #tpu.memory_space<hbm>>) dst(%arg6 : memref<80x125xi32, #tpu.memory_space<vmem>>)
      tpu.yield
    }) : () -> ()
    "tpu.region"() ({
      %run_scoped3A_39 = tpu.sem_alloc : memref<!tpu.dma_semaphore, #tpu.memory_space<semaphore_mem>>
      tpu.enqueue_dma source(%arg3 : memref<125x16xf32, #tpu.memory_space<hbm>>) target(%arg7 : memref<125x16xf32, #tpu.memory_space<vmem>>) target_semaphore(%run_scoped3A_39 : memref<!tpu.dma_semaphore, #tpu.memory_space<semaphore_mem>>)
      tpu.wait_dma2 semaphore(%run_scoped3A_39 : memref<!tpu.dma_semaphore, #tpu.memory_space<semaphore_mem>>) src(%arg3 : memref<125x16xf32, #tpu.memory_space<hbm>>) dst(%arg7 : memref<125x16xf32, #tpu.memory_space<vmem>>)
      tpu.yield
    }) : () -> ()
    %mul3A_1 = arith.constant 640 : i32
    %mul3A_2 = arith.muli %arg1, %mul3A_1 : i32
    "tpu.region"() ({
      %run_scoped3A_39 = tpu.sem_alloc : memref<!tpu.dma_semaphore, #tpu.memory_space<semaphore_mem>>
      %dma_start3A_40 = arith.constant 0 : i32
      %dma_start3A_41 = tpu.memref_slice %arg8[%mul3A_2, %dma_start3A_40] : memref<10240x16xf32, #tpu.memory_space<vmem_shared>> -> memref<640x16xf32, #tpu.memory_space<vmem_shared>>
      tpu.enqueue_dma source(%arg4 : memref<640x16xf32, #tpu.memory_space<hbm>>) target(%dma_start3A_41 : memref<640x16xf32, #tpu.memory_space<vmem_shared>>) target_semaphore(%run_scoped3A_39 : memref<!tpu.dma_semaphore, #tpu.memory_space<semaphore_mem>>)
      %dma_wait3A_42 = arith.constant 0 : i32
      %dma_wait3A_43 = tpu.memref_slice %arg8[%mul3A_2, %dma_wait3A_42] : memref<10240x16xf32, #tpu.memory_space<vmem_shared>> -> memref<640x16xf32, #tpu.memory_space<vmem_shared>>
      tpu.wait_dma2 semaphore(%run_scoped3A_39 : memref<!tpu.dma_semaphore, #tpu.memory_space<semaphore_mem>>) src(%arg4 : memref<640x16xf32, #tpu.memory_space<hbm>>) dst(%dma_wait3A_43 : memref<640x16xf32, #tpu.memory_space<vmem_shared>>)
      tpu.yield
    }) : () -> ()
    %barrier3A = arith.constant 0 : index
    tpu.barrier barrier_id(%barrier3A)
    %dma_start3A = arith.constant 0 : i32
    %dma_start3A_3 = arith.constant 0 : i32
    %dma_start3A_4 = tpu.memref_slice %arg6[%dma_start3A, %dma_start3A_3] : memref<80x125xi32, #tpu.memory_space<vmem>> -> memref<1x125xi32, #tpu.memory_space<vmem>>
    %dma_start3A_5 = tpu.memref_squeeze %dma_start3A_4 : memref<1x125xi32, #tpu.memory_space<vmem>> -> memref<125xi32, #tpu.memory_space<vmem>>
    %dma_start3A_6 = arith.constant 0 : i32
    %dma_start3A_7 = arith.constant 0 : i32
    %dma_start3A_8 = tpu.memref_slice %arg8[%dma_start3A_6, %dma_start3A_7] : memref<10240x16xf32, #tpu.memory_space<vmem_shared>> -> memref<10240x16xf32, #tpu.memory_space<vmem_shared>>
    tpu.enqueue_indirect_dma source(%arg7 : memref<125x16xf32, #tpu.memory_space<vmem>>) target(%dma_start3A_8 : memref<10240x16xf32, #tpu.memory_space<vmem_shared>>) offsets(%dma_start3A_5 : memref<125xi32, #tpu.memory_space<vmem>>) semaphore(%arg9 : memref<!tpu.dma_semaphore, #tpu.memory_space<semaphore_mem>>) {add = true}
    %dma_start3A_9 = arith.constant 1 : i32
    %dma_start3A_10 = arith.constant 0 : i32
    %dma_start3A_11 = tpu.memref_slice %arg6[%dma_start3A_9, %dma_start3A_10] : memref<80x125xi32, #tpu.memory_space<vmem>> -> memref<1x125xi32, #tpu.memory_space<vmem>>
    %dma_start3A_12 = tpu.memref_squeeze %dma_start3A_11 : memref<1x125xi32, #tpu.memory_space<vmem>> -> memref<125xi32, #tpu.memory_space<vmem>>
    %dma_start3A_13 = arith.constant 0 : i32
    %dma_start3A_14 = arith.constant 0 : i32
    %dma_start3A_15 = tpu.memref_slice %arg8[%dma_start3A_13, %dma_start3A_14] : memref<10240x16xf32, #tpu.memory_space<vmem_shared>> -> memref<10240x16xf32, #tpu.memory_space<vmem_shared>>
    tpu.enqueue_indirect_dma source(%arg7 : memref<125x16xf32, #tpu.memory_space<vmem>>) target(%dma_start3A_15 : memref<10240x16xf32, #tpu.memory_space<vmem_shared>>) offsets(%dma_start3A_12 : memref<125xi32, #tpu.memory_space<vmem>>) semaphore(%arg10 : memref<!tpu.dma_semaphore, #tpu.memory_space<semaphore_mem>>) {add = true}
    %scan3A = arith.constant 0 : i32
    %scan3A_16 = arith.constant 0 : i32
    %scan3A_17 = arith.constant 39 : i32
    %scan3A_18 = arith.addi %scan3A_16, %scan3A_17 : i32
    %scan3A_19 = arith.constant 1 : i32
    scf.for %scan3A_39 = %scan3A_16 to %scan3A_18 step %scan3A_19  : i32 {
      %mul3A_40 = arith.constant 2 : i32
      %mul3A_41 = arith.muli %mul3A_40, %scan3A_39 : i32
      %add3A_42 = arith.constant 2 : i32
      %add3A_43 = arith.addi %add3A_42, %mul3A_41 : i32
      %add3A_44 = arith.constant 0 : i32
      %add3A_45 = arith.addi %add3A_43, %add3A_44 : i32
      %sub3A = arith.constant 2 : i32
      %sub3A_46 = arith.subi %add3A_45, %sub3A : i32
      %dma_wait3A_47 = arith.constant 0 : i32
      %dma_wait3A_48 = tpu.memref_slice %arg6[%sub3A_46, %dma_wait3A_47] : memref<80x125xi32, #tpu.memory_space<vmem>> -> memref<1x125xi32, #tpu.memory_space<vmem>>
      %dma_wait3A_49 = tpu.memref_squeeze %dma_wait3A_48 : memref<1x125xi32, #tpu.memory_space<vmem>> -> memref<125xi32, #tpu.memory_space<vmem>>
      %dma_wait3A_50 = arith.constant 0 : i32
      %dma_wait3A_51 = arith.constant 0 : i32
      %dma_wait3A_52 = tpu.memref_slice %arg8[%dma_wait3A_50, %dma_wait3A_51] : memref<10240x16xf32, #tpu.memory_space<vmem_shared>> -> memref<10240x16xf32, #tpu.memory_space<vmem_shared>>
      tpu.wait_indirect_dma semaphore(%arg9 : memref<!tpu.dma_semaphore, #tpu.memory_space<semaphore_mem>>) src(%arg7 : memref<125x16xf32, #tpu.memory_space<vmem>>) dst(%dma_wait3A_52 : memref<10240x16xf32, #tpu.memory_space<vmem_shared>>)
      %dma_start3A_53 = arith.constant 0 : i32
      %dma_start3A_54 = tpu.memref_slice %arg6[%add3A_45, %dma_start3A_53] : memref<80x125xi32, #tpu.memory_space<vmem>> -> memref<1x125xi32, #tpu.memory_space<vmem>>
      %dma_start3A_55 = tpu.memref_squeeze %dma_start3A_54 : memref<1x125xi32, #tpu.memory_space<vmem>> -> memref<125xi32, #tpu.memory_space<vmem>>
      %dma_start3A_56 = arith.constant 0 : i32
      %dma_start3A_57 = arith.constant 0 : i32
      %dma_start3A_58 = tpu.memref_slice %arg8[%dma_start3A_56, %dma_start3A_57] : memref<10240x16xf32, #tpu.memory_space<vmem_shared>> -> memref<10240x16xf32, #tpu.memory_space<vmem_shared>>
      tpu.enqueue_indirect_dma source(%arg7 : memref<125x16xf32, #tpu.memory_space<vmem>>) target(%dma_start3A_58 : memref<10240x16xf32, #tpu.memory_space<vmem_shared>>) offsets(%dma_start3A_55 : memref<125xi32, #tpu.memory_space<vmem>>) semaphore(%arg9 : memref<!tpu.dma_semaphore, #tpu.memory_space<semaphore_mem>>) {add = true}
      %mul3A_59 = arith.constant 2 : i32
      %mul3A_60 = arith.muli %mul3A_59, %scan3A_39 : i32
      %add3A_61 = arith.constant 2 : i32
      %add3A_62 = arith.addi %add3A_61, %mul3A_60 : i32
      %add3A_63 = arith.constant 1 : i32
      %add3A_64 = arith.addi %add3A_62, %add3A_63 : i32
      %sub3A_65 = arith.constant 2 : i32
      %sub3A_66 = arith.subi %add3A_64, %sub3A_65 : i32
      %dma_wait3A_67 = arith.constant 0 : i32
      %dma_wait3A_68 = tpu.memref_slice %arg6[%sub3A_66, %dma_wait3A_67] : memref<80x125xi32, #tpu.memory_space<vmem>> -> memref<1x125xi32, #tpu.memory_space<vmem>>
      %dma_wait3A_69 = tpu.memref_squeeze %dma_wait3A_68 : memref<1x125xi32, #tpu.memory_space<vmem>> -> memref<125xi32, #tpu.memory_space<vmem>>
      %dma_wait3A_70 = arith.constant 0 : i32
      %dma_wait3A_71 = arith.constant 0 : i32
      %dma_wait3A_72 = tpu.memref_slice %arg8[%dma_wait3A_70, %dma_wait3A_71] : memref<10240x16xf32, #tpu.memory_space<vmem_shared>> -> memref<10240x16xf32, #tpu.memory_space<vmem_shared>>
      tpu.wait_indirect_dma semaphore(%arg10 : memref<!tpu.dma_semaphore, #tpu.memory_space<semaphore_mem>>) src(%arg7 : memref<125x16xf32, #tpu.memory_space<vmem>>) dst(%dma_wait3A_72 : memref<10240x16xf32, #tpu.memory_space<vmem_shared>>)
      %dma_start3A_73 = arith.constant 0 : i32
      %dma_start3A_74 = tpu.memref_slice %arg6[%add3A_64, %dma_start3A_73] : memref<80x125xi32, #tpu.memory_space<vmem>> -> memref<1x125xi32, #tpu.memory_space<vmem>>
      %dma_start3A_75 = tpu.memref_squeeze %dma_start3A_74 : memref<1x125xi32, #tpu.memory_space<vmem>> -> memref<125xi32, #tpu.memory_space<vmem>>
      %dma_start3A_76 = arith.constant 0 : i32
      %dma_start3A_77 = arith.constant 0 : i32
      %dma_start3A_78 = tpu.memref_slice %arg8[%dma_start3A_76, %dma_start3A_77] : memref<10240x16xf32, #tpu.memory_space<vmem_shared>> -> memref<10240x16xf32, #tpu.memory_space<vmem_shared>>
      tpu.enqueue_indirect_dma source(%arg7 : memref<125x16xf32, #tpu.memory_space<vmem>>) target(%dma_start3A_78 : memref<10240x16xf32, #tpu.memory_space<vmem_shared>>) offsets(%dma_start3A_75 : memref<125xi32, #tpu.memory_space<vmem>>) semaphore(%arg10 : memref<!tpu.dma_semaphore, #tpu.memory_space<semaphore_mem>>) {add = true}
    }
    %scan3A_20 = arith.constant 39 : i32
    %dma_wait3A = arith.constant 78 : i32
    %dma_wait3A_21 = arith.constant 0 : i32
    %dma_wait3A_22 = tpu.memref_slice %arg6[%dma_wait3A, %dma_wait3A_21] : memref<80x125xi32, #tpu.memory_space<vmem>> -> memref<1x125xi32, #tpu.memory_space<vmem>>
    %dma_wait3A_23 = tpu.memref_squeeze %dma_wait3A_22 : memref<1x125xi32, #tpu.memory_space<vmem>> -> memref<125xi32, #tpu.memory_space<vmem>>
    %dma_wait3A_24 = arith.constant 0 : i32
    %dma_wait3A_25 = arith.constant 0 : i32
    %dma_wait3A_26 = tpu.memref_slice %arg8[%dma_wait3A_24, %dma_wait3A_25] : memref<10240x16xf32, #tpu.memory_space<vmem_shared>> -> memref<10240x16xf32, #tpu.memory_space<vmem_shared>>
    tpu.wait_indirect_dma semaphore(%arg9 : memref<!tpu.dma_semaphore, #tpu.memory_space<semaphore_mem>>) src(%arg7 : memref<125x16xf32, #tpu.memory_space<vmem>>) dst(%dma_wait3A_26 : memref<10240x16xf32, #tpu.memory_space<vmem_shared>>)
    %dma_wait3A_27 = arith.constant 79 : i32
    %dma_wait3A_28 = arith.constant 0 : i32
    %dma_wait3A_29 = tpu.memref_slice %arg6[%dma_wait3A_27, %dma_wait3A_28] : memref<80x125xi32, #tpu.memory_space<vmem>> -> memref<1x125xi32, #tpu.memory_space<vmem>>
    %dma_wait3A_30 = tpu.memref_squeeze %dma_wait3A_29 : memref<1x125xi32, #tpu.memory_space<vmem>> -> memref<125xi32, #tpu.memory_space<vmem>>
    %dma_wait3A_31 = arith.constant 0 : i32
    %dma_wait3A_32 = arith.constant 0 : i32
    %dma_wait3A_33 = tpu.memref_slice %arg8[%dma_wait3A_31, %dma_wait3A_32] : memref<10240x16xf32, #tpu.memory_space<vmem_shared>> -> memref<10240x16xf32, #tpu.memory_space<vmem_shared>>
    tpu.wait_indirect_dma semaphore(%arg10 : memref<!tpu.dma_semaphore, #tpu.memory_space<semaphore_mem>>) src(%arg7 : memref<125x16xf32, #tpu.memory_space<vmem>>) dst(%dma_wait3A_33 : memref<10240x16xf32, #tpu.memory_space<vmem_shared>>)
    %barrier3A_34 = arith.constant 0 : index
    tpu.barrier barrier_id(%barrier3A_34)
    %mul3A_35 = arith.constant 640 : i32
    %mul3A_36 = arith.muli %arg1, %mul3A_35 : i32
    %mul3A_37 = arith.constant 640 : i32
    %mul3A_38 = arith.muli %arg1, %mul3A_37 : i32
    "tpu.region"() ({
      %run_scoped3A_39 = tpu.sem_alloc : memref<!tpu.dma_semaphore, #tpu.memory_space<semaphore_mem>>
      %dma_start3A_40 = arith.constant 0 : i32
      %dma_start3A_41 = tpu.memref_slice %arg5[%arg0, %mul3A_38, %dma_start3A_40] : memref<2x10240x16xf32, #tpu.memory_space<hbm>> -> memref<1x640x16xf32, #tpu.memory_space<hbm>>
      %dma_start3A_42 = tpu.memref_squeeze %dma_start3A_41 : memref<1x640x16xf32, #tpu.memory_space<hbm>> -> memref<640x16xf32, #tpu.memory_space<hbm>>
      %dma_start3A_43 = arith.constant 0 : i32
      %dma_start3A_44 = tpu.memref_slice %arg8[%mul3A_36, %dma_start3A_43] : memref<10240x16xf32, #tpu.memory_space<vmem_shared>> -> memref<640x16xf32, #tpu.memory_space<vmem_shared>>
      tpu.enqueue_dma source(%dma_start3A_44 : memref<640x16xf32, #tpu.memory_space<vmem_shared>>) target(%dma_start3A_42 : memref<640x16xf32, #tpu.memory_space<hbm>>) target_semaphore(%run_scoped3A_39 : memref<!tpu.dma_semaphore, #tpu.memory_space<semaphore_mem>>)
      %dma_wait3A_45 = arith.constant 0 : i32
      %dma_wait3A_46 = tpu.memref_slice %arg5[%arg0, %mul3A_38, %dma_wait3A_45] : memref<2x10240x16xf32, #tpu.memory_space<hbm>> -> memref<1x640x16xf32, #tpu.memory_space<hbm>>
      %dma_wait3A_47 = tpu.memref_squeeze %dma_wait3A_46 : memref<1x640x16xf32, #tpu.memory_space<hbm>> -> memref<640x16xf32, #tpu.memory_space<hbm>>
      %dma_wait3A_48 = arith.constant 0 : i32
      %dma_wait3A_49 = tpu.memref_slice %arg8[%mul3A_36, %dma_wait3A_48] : memref<10240x16xf32, #tpu.memory_space<vmem_shared>> -> memref<640x16xf32, #tpu.memory_space<vmem_shared>>
      tpu.wait_dma2 semaphore(%run_scoped3A_39 : memref<!tpu.dma_semaphore, #tpu.memory_space<semaphore_mem>>) src(%dma_wait3A_49 : memref<640x16xf32, #tpu.memory_space<vmem_shared>>) dst(%dma_wait3A_47 : memref<640x16xf32, #tpu.memory_space<hbm>>)
      tpu.yield
    }) : () -> ()
    return
  }
}

#map = affine_map<(d0, d1) -> (0, 0, 0, 0)>
#map1 = affine_map<(d0, d1) -> (0, 0)>
#map2 = affine_map<(d0, d1) -> (0, 0, 0)>
module attributes {stable_mosaic.version = 14 : i64} {
  func.func @agg_kernel(%arg0: i32, %arg1: i32, %arg2: memref<2x32x200x50xi32, #tpu.memory_space<hbm>>, %arg3: memref<10000x128xf32, #tpu.memory_space<hbm>>, %arg4: memref<640x128xf32, #tpu.memory_space<hbm>>, %arg5: memref<2x10240x128xf32, #tpu.memory_space<hbm>>, %arg6: memref<200x50xi32, #tpu.memory_space<vmem>>, %arg7: memref<200x50xi32, #tpu.memory_space<vmem>>, %arg8: memref<50x128xf32, #tpu.memory_space<vmem>>, %arg9: memref<50x128xf32, #tpu.memory_space<vmem>>, %arg10: memref<50x128xf32, #tpu.memory_space<vmem>>, %arg11: memref<50x128xf32, #tpu.memory_space<vmem>>, %arg12: memref<10240x128xf32, #tpu.memory_space<vmem_shared>>, %arg13: memref<!tpu.dma_semaphore, #tpu.memory_space<semaphore_mem>>, %arg14: memref<!tpu.dma_semaphore, #tpu.memory_space<semaphore_mem>>, %arg15: memref<!tpu.dma_semaphore, #tpu.memory_space<semaphore_mem>>, %arg16: memref<!tpu.dma_semaphore, #tpu.memory_space<semaphore_mem>>) attributes {dimension_semantics = [#tpu.dimension_semantics<core_parallel>, #tpu.dimension_semantics<subcore_parallel>], iteration_bounds = array<i64: 2, 16>, scalar_prefetch = 0 : i64, scratch_operands = 11 : i64, tpu.core_type = #tpu.core_type<sc_vector_subcore>, window_params = [{transform_indices = #map}, {transform_indices = #map1}, {transform_indices = #map1}, {transform_indices = #map2}]} {
    %mul3A = arith.constant 2 : i32
    %mul3A_0 = arith.muli %arg1, %mul3A : i32
    %add3A = arith.addi %mul3A_0, %arg0 : i32
    %run_scoped3A = arith.constant 0 : i32
    "tpu.region"() ({
      %run_scoped3A_72 = tpu.sem_alloc : memref<!tpu.dma_semaphore, #tpu.memory_space<semaphore_mem>>
      %dma_start3A_73 = arith.constant 0 : i32
      %dma_start3A_74 = arith.constant 0 : i32
      %dma_start3A_75 = tpu.memref_slice %arg2[%run_scoped3A, %add3A, %dma_start3A_73, %dma_start3A_74] : memref<2x32x200x50xi32, #tpu.memory_space<hbm>> -> memref<1x1x200x50xi32, #tpu.memory_space<hbm>>
      %dma_start3A_76 = tpu.memref_squeeze %dma_start3A_75 : memref<1x1x200x50xi32, #tpu.memory_space<hbm>> -> memref<200x50xi32, #tpu.memory_space<hbm>>
      %dma_start3A_77 = arith.constant 0 : i32
      %dma_start3A_78 = arith.constant 0 : i32
      %dma_start3A_79 = tpu.memref_slice %arg2[%run_scoped3A, %add3A, %dma_start3A_77, %dma_start3A_78] : memref<2x32x200x50xi32, #tpu.memory_space<hbm>> -> memref<1x1x200x50xi32, #tpu.memory_space<hbm>>
      %dma_start3A_80 = tpu.memref_squeeze %dma_start3A_79 : memref<1x1x200x50xi32, #tpu.memory_space<hbm>> -> memref<200x50xi32, #tpu.memory_space<hbm>>
      tpu.enqueue_dma source(%dma_start3A_80 : memref<200x50xi32, #tpu.memory_space<hbm>>) target(%arg6 : memref<200x50xi32, #tpu.memory_space<vmem>>) target_semaphore(%run_scoped3A_72 : memref<!tpu.dma_semaphore, #tpu.memory_space<semaphore_mem>>)
      %dma_wait3A_81 = arith.constant 0 : i32
      %dma_wait3A_82 = arith.constant 0 : i32
      %dma_wait3A_83 = tpu.memref_slice %arg2[%run_scoped3A, %add3A, %dma_wait3A_81, %dma_wait3A_82] : memref<2x32x200x50xi32, #tpu.memory_space<hbm>> -> memref<1x1x200x50xi32, #tpu.memory_space<hbm>>
      %dma_wait3A_84 = tpu.memref_squeeze %dma_wait3A_83 : memref<1x1x200x50xi32, #tpu.memory_space<hbm>> -> memref<200x50xi32, #tpu.memory_space<hbm>>
      %dma_wait3A_85 = arith.constant 0 : i32
      %dma_wait3A_86 = arith.constant 0 : i32
      %dma_wait3A_87 = tpu.memref_slice %arg2[%run_scoped3A, %add3A, %dma_wait3A_85, %dma_wait3A_86] : memref<2x32x200x50xi32, #tpu.memory_space<hbm>> -> memref<1x1x200x50xi32, #tpu.memory_space<hbm>>
      %dma_wait3A_88 = tpu.memref_squeeze %dma_wait3A_87 : memref<1x1x200x50xi32, #tpu.memory_space<hbm>> -> memref<200x50xi32, #tpu.memory_space<hbm>>
      tpu.wait_dma2 semaphore(%run_scoped3A_72 : memref<!tpu.dma_semaphore, #tpu.memory_space<semaphore_mem>>) src(%dma_wait3A_88 : memref<200x50xi32, #tpu.memory_space<hbm>>) dst(%arg6 : memref<200x50xi32, #tpu.memory_space<vmem>>)
      tpu.yield
    }) : () -> ()
    %run_scoped3A_1 = arith.constant 1 : i32
    "tpu.region"() ({
      %run_scoped3A_72 = tpu.sem_alloc : memref<!tpu.dma_semaphore, #tpu.memory_space<semaphore_mem>>
      %dma_start3A_73 = arith.constant 0 : i32
      %dma_start3A_74 = arith.constant 0 : i32
      %dma_start3A_75 = tpu.memref_slice %arg2[%run_scoped3A_1, %add3A, %dma_start3A_73, %dma_start3A_74] : memref<2x32x200x50xi32, #tpu.memory_space<hbm>> -> memref<1x1x200x50xi32, #tpu.memory_space<hbm>>
      %dma_start3A_76 = tpu.memref_squeeze %dma_start3A_75 : memref<1x1x200x50xi32, #tpu.memory_space<hbm>> -> memref<200x50xi32, #tpu.memory_space<hbm>>
      %dma_start3A_77 = arith.constant 0 : i32
      %dma_start3A_78 = arith.constant 0 : i32
      %dma_start3A_79 = tpu.memref_slice %arg2[%run_scoped3A_1, %add3A, %dma_start3A_77, %dma_start3A_78] : memref<2x32x200x50xi32, #tpu.memory_space<hbm>> -> memref<1x1x200x50xi32, #tpu.memory_space<hbm>>
      %dma_start3A_80 = tpu.memref_squeeze %dma_start3A_79 : memref<1x1x200x50xi32, #tpu.memory_space<hbm>> -> memref<200x50xi32, #tpu.memory_space<hbm>>
      tpu.enqueue_dma source(%dma_start3A_80 : memref<200x50xi32, #tpu.memory_space<hbm>>) target(%arg7 : memref<200x50xi32, #tpu.memory_space<vmem>>) target_semaphore(%run_scoped3A_72 : memref<!tpu.dma_semaphore, #tpu.memory_space<semaphore_mem>>)
      %dma_wait3A_81 = arith.constant 0 : i32
      %dma_wait3A_82 = arith.constant 0 : i32
      %dma_wait3A_83 = tpu.memref_slice %arg2[%run_scoped3A_1, %add3A, %dma_wait3A_81, %dma_wait3A_82] : memref<2x32x200x50xi32, #tpu.memory_space<hbm>> -> memref<1x1x200x50xi32, #tpu.memory_space<hbm>>
      %dma_wait3A_84 = tpu.memref_squeeze %dma_wait3A_83 : memref<1x1x200x50xi32, #tpu.memory_space<hbm>> -> memref<200x50xi32, #tpu.memory_space<hbm>>
      %dma_wait3A_85 = arith.constant 0 : i32
      %dma_wait3A_86 = arith.constant 0 : i32
      %dma_wait3A_87 = tpu.memref_slice %arg2[%run_scoped3A_1, %add3A, %dma_wait3A_85, %dma_wait3A_86] : memref<2x32x200x50xi32, #tpu.memory_space<hbm>> -> memref<1x1x200x50xi32, #tpu.memory_space<hbm>>
      %dma_wait3A_88 = tpu.memref_squeeze %dma_wait3A_87 : memref<1x1x200x50xi32, #tpu.memory_space<hbm>> -> memref<200x50xi32, #tpu.memory_space<hbm>>
      tpu.wait_dma2 semaphore(%run_scoped3A_72 : memref<!tpu.dma_semaphore, #tpu.memory_space<semaphore_mem>>) src(%dma_wait3A_88 : memref<200x50xi32, #tpu.memory_space<hbm>>) dst(%arg7 : memref<200x50xi32, #tpu.memory_space<vmem>>)
      tpu.yield
    }) : () -> ()
    %mul3A_2 = arith.constant 640 : i32
    %mul3A_3 = arith.muli %arg1, %mul3A_2 : i32
    "tpu.region"() ({
      %run_scoped3A_72 = tpu.sem_alloc : memref<!tpu.dma_semaphore, #tpu.memory_space<semaphore_mem>>
      %dma_start3A_73 = arith.constant 0 : i32
      %dma_start3A_74 = tpu.memref_slice %arg12[%mul3A_3, %dma_start3A_73] : memref<10240x128xf32, #tpu.memory_space<vmem_shared>> -> memref<640x128xf32, #tpu.memory_space<vmem_shared>>
      tpu.enqueue_dma source(%arg4 : memref<640x128xf32, #tpu.memory_space<hbm>>) target(%dma_start3A_74 : memref<640x128xf32, #tpu.memory_space<vmem_shared>>) target_semaphore(%run_scoped3A_72 : memref<!tpu.dma_semaphore, #tpu.memory_space<semaphore_mem>>)
      %dma_wait3A_75 = arith.constant 0 : i32
      %dma_wait3A_76 = tpu.memref_slice %arg12[%mul3A_3, %dma_wait3A_75] : memref<10240x128xf32, #tpu.memory_space<vmem_shared>> -> memref<640x128xf32, #tpu.memory_space<vmem_shared>>
      tpu.wait_dma2 semaphore(%run_scoped3A_72 : memref<!tpu.dma_semaphore, #tpu.memory_space<semaphore_mem>>) src(%arg4 : memref<640x128xf32, #tpu.memory_space<hbm>>) dst(%dma_wait3A_76 : memref<640x128xf32, #tpu.memory_space<vmem_shared>>)
      tpu.yield
    }) : () -> ()
    %barrier3A = arith.constant 0 : index
    tpu.barrier barrier_id(%barrier3A)
    %dma_start3A = arith.constant 0 : i32
    %dma_start3A_4 = arith.constant 0 : i32
    %dma_start3A_5 = tpu.memref_slice %arg6[%dma_start3A, %dma_start3A_4] : memref<200x50xi32, #tpu.memory_space<vmem>> -> memref<1x50xi32, #tpu.memory_space<vmem>>
    %dma_start3A_6 = tpu.memref_squeeze %dma_start3A_5 : memref<1x50xi32, #tpu.memory_space<vmem>> -> memref<50xi32, #tpu.memory_space<vmem>>
    %dma_start3A_7 = arith.constant 0 : i32
    %dma_start3A_8 = arith.constant 0 : i32
    %dma_start3A_9 = tpu.memref_slice %arg3[%dma_start3A_7, %dma_start3A_8] : memref<10000x128xf32, #tpu.memory_space<hbm>> -> memref<10000x128xf32, #tpu.memory_space<hbm>>
    tpu.enqueue_indirect_dma source(%dma_start3A_9 : memref<10000x128xf32, #tpu.memory_space<hbm>>) target(%arg8 : memref<50x128xf32, #tpu.memory_space<vmem>>) offsets(%dma_start3A_6 : memref<50xi32, #tpu.memory_space<vmem>>) semaphore(%arg13 : memref<!tpu.dma_semaphore, #tpu.memory_space<semaphore_mem>>)
    %dma_start3A_10 = arith.constant 1 : i32
    %dma_start3A_11 = arith.constant 0 : i32
    %dma_start3A_12 = tpu.memref_slice %arg6[%dma_start3A_10, %dma_start3A_11] : memref<200x50xi32, #tpu.memory_space<vmem>> -> memref<1x50xi32, #tpu.memory_space<vmem>>
    %dma_start3A_13 = tpu.memref_squeeze %dma_start3A_12 : memref<1x50xi32, #tpu.memory_space<vmem>> -> memref<50xi32, #tpu.memory_space<vmem>>
    %dma_start3A_14 = arith.constant 0 : i32
    %dma_start3A_15 = arith.constant 0 : i32
    %dma_start3A_16 = tpu.memref_slice %arg3[%dma_start3A_14, %dma_start3A_15] : memref<10000x128xf32, #tpu.memory_space<hbm>> -> memref<10000x128xf32, #tpu.memory_space<hbm>>
    tpu.enqueue_indirect_dma source(%dma_start3A_16 : memref<10000x128xf32, #tpu.memory_space<hbm>>) target(%arg9 : memref<50x128xf32, #tpu.memory_space<vmem>>) offsets(%dma_start3A_13 : memref<50xi32, #tpu.memory_space<vmem>>) semaphore(%arg14 : memref<!tpu.dma_semaphore, #tpu.memory_space<semaphore_mem>>)
    %dma_start3A_17 = arith.constant 2 : i32
    %dma_start3A_18 = arith.constant 0 : i32
    %dma_start3A_19 = tpu.memref_slice %arg6[%dma_start3A_17, %dma_start3A_18] : memref<200x50xi32, #tpu.memory_space<vmem>> -> memref<1x50xi32, #tpu.memory_space<vmem>>
    %dma_start3A_20 = tpu.memref_squeeze %dma_start3A_19 : memref<1x50xi32, #tpu.memory_space<vmem>> -> memref<50xi32, #tpu.memory_space<vmem>>
    %dma_start3A_21 = arith.constant 0 : i32
    %dma_start3A_22 = arith.constant 0 : i32
    %dma_start3A_23 = tpu.memref_slice %arg3[%dma_start3A_21, %dma_start3A_22] : memref<10000x128xf32, #tpu.memory_space<hbm>> -> memref<10000x128xf32, #tpu.memory_space<hbm>>
    tpu.enqueue_indirect_dma source(%dma_start3A_23 : memref<10000x128xf32, #tpu.memory_space<hbm>>) target(%arg10 : memref<50x128xf32, #tpu.memory_space<vmem>>) offsets(%dma_start3A_20 : memref<50xi32, #tpu.memory_space<vmem>>) semaphore(%arg15 : memref<!tpu.dma_semaphore, #tpu.memory_space<semaphore_mem>>)
    %dma_start3A_24 = arith.constant 3 : i32
    %dma_start3A_25 = arith.constant 0 : i32
    %dma_start3A_26 = tpu.memref_slice %arg6[%dma_start3A_24, %dma_start3A_25] : memref<200x50xi32, #tpu.memory_space<vmem>> -> memref<1x50xi32, #tpu.memory_space<vmem>>
    %dma_start3A_27 = tpu.memref_squeeze %dma_start3A_26 : memref<1x50xi32, #tpu.memory_space<vmem>> -> memref<50xi32, #tpu.memory_space<vmem>>
    %dma_start3A_28 = arith.constant 0 : i32
    %dma_start3A_29 = arith.constant 0 : i32
    %dma_start3A_30 = tpu.memref_slice %arg3[%dma_start3A_28, %dma_start3A_29] : memref<10000x128xf32, #tpu.memory_space<hbm>> -> memref<10000x128xf32, #tpu.memory_space<hbm>>
    tpu.enqueue_indirect_dma source(%dma_start3A_30 : memref<10000x128xf32, #tpu.memory_space<hbm>>) target(%arg11 : memref<50x128xf32, #tpu.memory_space<vmem>>) offsets(%dma_start3A_27 : memref<50xi32, #tpu.memory_space<vmem>>) semaphore(%arg16 : memref<!tpu.dma_semaphore, #tpu.memory_space<semaphore_mem>>)
    %scan3A = arith.constant 0 : i32
    %scan3A_31 = arith.constant 0 : i32
    %scan3A_32 = arith.constant 49 : i32
    %scan3A_33 = arith.addi %scan3A_31, %scan3A_32 : i32
    %scan3A_34 = arith.constant 1 : i32
    scf.for %scan3A_72 = %scan3A_31 to %scan3A_33 step %scan3A_34  : i32 {
      %mul3A_73 = arith.constant 4 : i32
      %mul3A_74 = arith.muli %scan3A_72, %mul3A_73 : i32
      %add3A_75 = arith.constant 0 : i32
      %add3A_76 = arith.addi %mul3A_74, %add3A_75 : i32
      %dma_wait3A_77 = arith.constant 0 : i32
      %dma_wait3A_78 = tpu.memref_slice %arg6[%add3A_76, %dma_wait3A_77] : memref<200x50xi32, #tpu.memory_space<vmem>> -> memref<1x50xi32, #tpu.memory_space<vmem>>
      %dma_wait3A_79 = tpu.memref_squeeze %dma_wait3A_78 : memref<1x50xi32, #tpu.memory_space<vmem>> -> memref<50xi32, #tpu.memory_space<vmem>>
      %dma_wait3A_80 = arith.constant 0 : i32
      %dma_wait3A_81 = arith.constant 0 : i32
      %dma_wait3A_82 = tpu.memref_slice %arg3[%dma_wait3A_80, %dma_wait3A_81] : memref<10000x128xf32, #tpu.memory_space<hbm>> -> memref<10000x128xf32, #tpu.memory_space<hbm>>
      tpu.wait_indirect_dma semaphore(%arg13 : memref<!tpu.dma_semaphore, #tpu.memory_space<semaphore_mem>>) src(%dma_wait3A_82 : memref<10000x128xf32, #tpu.memory_space<hbm>>) dst(%arg8 : memref<50x128xf32, #tpu.memory_space<vmem>>)
      "tpu.region"() ({
        %run_scoped3A_145 = tpu.sem_alloc : memref<!tpu.dma_semaphore, #tpu.memory_space<semaphore_mem>>
        %dma_start3A_146 = arith.constant 0 : i32
        %dma_start3A_147 = tpu.memref_slice %arg7[%add3A_76, %dma_start3A_146] : memref<200x50xi32, #tpu.memory_space<vmem>> -> memref<1x50xi32, #tpu.memory_space<vmem>>
        %dma_start3A_148 = tpu.memref_squeeze %dma_start3A_147 : memref<1x50xi32, #tpu.memory_space<vmem>> -> memref<50xi32, #tpu.memory_space<vmem>>
        %dma_start3A_149 = arith.constant 0 : i32
        %dma_start3A_150 = arith.constant 0 : i32
        %dma_start3A_151 = tpu.memref_slice %arg12[%dma_start3A_149, %dma_start3A_150] : memref<10240x128xf32, #tpu.memory_space<vmem_shared>> -> memref<10240x128xf32, #tpu.memory_space<vmem_shared>>
        tpu.enqueue_indirect_dma source(%arg8 : memref<50x128xf32, #tpu.memory_space<vmem>>) target(%dma_start3A_151 : memref<10240x128xf32, #tpu.memory_space<vmem_shared>>) offsets(%dma_start3A_148 : memref<50xi32, #tpu.memory_space<vmem>>) semaphore(%run_scoped3A_145 : memref<!tpu.dma_semaphore, #tpu.memory_space<semaphore_mem>>) {add = true}
        %dma_wait3A_152 = arith.constant 0 : i32
        %dma_wait3A_153 = tpu.memref_slice %arg7[%add3A_76, %dma_wait3A_152] : memref<200x50xi32, #tpu.memory_space<vmem>> -> memref<1x50xi32, #tpu.memory_space<vmem>>
        %dma_wait3A_154 = tpu.memref_squeeze %dma_wait3A_153 : memref<1x50xi32, #tpu.memory_space<vmem>> -> memref<50xi32, #tpu.memory_space<vmem>>
        %dma_wait3A_155 = arith.constant 0 : i32
        %dma_wait3A_156 = arith.constant 0 : i32
        %dma_wait3A_157 = tpu.memref_slice %arg12[%dma_wait3A_155, %dma_wait3A_156] : memref<10240x128xf32, #tpu.memory_space<vmem_shared>> -> memref<10240x128xf32, #tpu.memory_space<vmem_shared>>
        tpu.wait_indirect_dma semaphore(%run_scoped3A_145 : memref<!tpu.dma_semaphore, #tpu.memory_space<semaphore_mem>>) src(%arg8 : memref<50x128xf32, #tpu.memory_space<vmem>>) dst(%dma_wait3A_157 : memref<10240x128xf32, #tpu.memory_space<vmem_shared>>)
        tpu.yield
      }) : () -> ()
      %add3A_83 = arith.constant 4 : i32
      %add3A_84 = arith.addi %add3A_76, %add3A_83 : i32
      %dma_start3A_85 = arith.constant 0 : i32
      %dma_start3A_86 = tpu.memref_slice %arg6[%add3A_84, %dma_start3A_85] : memref<200x50xi32, #tpu.memory_space<vmem>> -> memref<1x50xi32, #tpu.memory_space<vmem>>
      %dma_start3A_87 = tpu.memref_squeeze %dma_start3A_86 : memref<1x50xi32, #tpu.memory_space<vmem>> -> memref<50xi32, #tpu.memory_space<vmem>>
      %dma_start3A_88 = arith.constant 0 : i32
      %dma_start3A_89 = arith.constant 0 : i32
      %dma_start3A_90 = tpu.memref_slice %arg3[%dma_start3A_88, %dma_start3A_89] : memref<10000x128xf32, #tpu.memory_space<hbm>> -> memref<10000x128xf32, #tpu.memory_space<hbm>>
      tpu.enqueue_indirect_dma source(%dma_start3A_90 : memref<10000x128xf32, #tpu.memory_space<hbm>>) target(%arg8 : memref<50x128xf32, #tpu.memory_space<vmem>>) offsets(%dma_start3A_87 : memref<50xi32, #tpu.memory_space<vmem>>) semaphore(%arg13 : memref<!tpu.dma_semaphore, #tpu.memory_space<semaphore_mem>>)
      %mul3A_91 = arith.constant 4 : i32
      %mul3A_92 = arith.muli %scan3A_72, %mul3A_91 : i32
      %add3A_93 = arith.constant 1 : i32
      %add3A_94 = arith.addi %mul3A_92, %add3A_93 : i32
      %dma_wait3A_95 = arith.constant 0 : i32
      %dma_wait3A_96 = tpu.memref_slice %arg6[%add3A_94, %dma_wait3A_95] : memref<200x50xi32, #tpu.memory_space<vmem>> -> memref<1x50xi32, #tpu.memory_space<vmem>>
      %dma_wait3A_97 = tpu.memref_squeeze %dma_wait3A_96 : memref<1x50xi32, #tpu.memory_space<vmem>> -> memref<50xi32, #tpu.memory_space<vmem>>
      %dma_wait3A_98 = arith.constant 0 : i32
      %dma_wait3A_99 = arith.constant 0 : i32
      %dma_wait3A_100 = tpu.memref_slice %arg3[%dma_wait3A_98, %dma_wait3A_99] : memref<10000x128xf32, #tpu.memory_space<hbm>> -> memref<10000x128xf32, #tpu.memory_space<hbm>>
      tpu.wait_indirect_dma semaphore(%arg14 : memref<!tpu.dma_semaphore, #tpu.memory_space<semaphore_mem>>) src(%dma_wait3A_100 : memref<10000x128xf32, #tpu.memory_space<hbm>>) dst(%arg9 : memref<50x128xf32, #tpu.memory_space<vmem>>)
      "tpu.region"() ({
        %run_scoped3A_145 = tpu.sem_alloc : memref<!tpu.dma_semaphore, #tpu.memory_space<semaphore_mem>>
        %dma_start3A_146 = arith.constant 0 : i32
        %dma_start3A_147 = tpu.memref_slice %arg7[%add3A_94, %dma_start3A_146] : memref<200x50xi32, #tpu.memory_space<vmem>> -> memref<1x50xi32, #tpu.memory_space<vmem>>
        %dma_start3A_148 = tpu.memref_squeeze %dma_start3A_147 : memref<1x50xi32, #tpu.memory_space<vmem>> -> memref<50xi32, #tpu.memory_space<vmem>>
        %dma_start3A_149 = arith.constant 0 : i32
        %dma_start3A_150 = arith.constant 0 : i32
        %dma_start3A_151 = tpu.memref_slice %arg12[%dma_start3A_149, %dma_start3A_150] : memref<10240x128xf32, #tpu.memory_space<vmem_shared>> -> memref<10240x128xf32, #tpu.memory_space<vmem_shared>>
        tpu.enqueue_indirect_dma source(%arg9 : memref<50x128xf32, #tpu.memory_space<vmem>>) target(%dma_start3A_151 : memref<10240x128xf32, #tpu.memory_space<vmem_shared>>) offsets(%dma_start3A_148 : memref<50xi32, #tpu.memory_space<vmem>>) semaphore(%run_scoped3A_145 : memref<!tpu.dma_semaphore, #tpu.memory_space<semaphore_mem>>) {add = true}
        %dma_wait3A_152 = arith.constant 0 : i32
        %dma_wait3A_153 = tpu.memref_slice %arg7[%add3A_94, %dma_wait3A_152] : memref<200x50xi32, #tpu.memory_space<vmem>> -> memref<1x50xi32, #tpu.memory_space<vmem>>
        %dma_wait3A_154 = tpu.memref_squeeze %dma_wait3A_153 : memref<1x50xi32, #tpu.memory_space<vmem>> -> memref<50xi32, #tpu.memory_space<vmem>>
        %dma_wait3A_155 = arith.constant 0 : i32
        %dma_wait3A_156 = arith.constant 0 : i32
        %dma_wait3A_157 = tpu.memref_slice %arg12[%dma_wait3A_155, %dma_wait3A_156] : memref<10240x128xf32, #tpu.memory_space<vmem_shared>> -> memref<10240x128xf32, #tpu.memory_space<vmem_shared>>
        tpu.wait_indirect_dma semaphore(%run_scoped3A_145 : memref<!tpu.dma_semaphore, #tpu.memory_space<semaphore_mem>>) src(%arg9 : memref<50x128xf32, #tpu.memory_space<vmem>>) dst(%dma_wait3A_157 : memref<10240x128xf32, #tpu.memory_space<vmem_shared>>)
        tpu.yield
      }) : () -> ()
      %add3A_101 = arith.constant 4 : i32
      %add3A_102 = arith.addi %add3A_94, %add3A_101 : i32
      %dma_start3A_103 = arith.constant 0 : i32
      %dma_start3A_104 = tpu.memref_slice %arg6[%add3A_102, %dma_start3A_103] : memref<200x50xi32, #tpu.memory_space<vmem>> -> memref<1x50xi32, #tpu.memory_space<vmem>>
      %dma_start3A_105 = tpu.memref_squeeze %dma_start3A_104 : memref<1x50xi32, #tpu.memory_space<vmem>> -> memref<50xi32, #tpu.memory_space<vmem>>
      %dma_start3A_106 = arith.constant 0 : i32
      %dma_start3A_107 = arith.constant 0 : i32
      %dma_start3A_108 = tpu.memref_slice %arg3[%dma_start3A_106, %dma_start3A_107] : memref<10000x128xf32, #tpu.memory_space<hbm>> -> memref<10000x128xf32, #tpu.memory_space<hbm>>
      tpu.enqueue_indirect_dma source(%dma_start3A_108 : memref<10000x128xf32, #tpu.memory_space<hbm>>) target(%arg9 : memref<50x128xf32, #tpu.memory_space<vmem>>) offsets(%dma_start3A_105 : memref<50xi32, #tpu.memory_space<vmem>>) semaphore(%arg14 : memref<!tpu.dma_semaphore, #tpu.memory_space<semaphore_mem>>)
      %mul3A_109 = arith.constant 4 : i32
      %mul3A_110 = arith.muli %scan3A_72, %mul3A_109 : i32
      %add3A_111 = arith.constant 2 : i32
      %add3A_112 = arith.addi %mul3A_110, %add3A_111 : i32
      %dma_wait3A_113 = arith.constant 0 : i32
      %dma_wait3A_114 = tpu.memref_slice %arg6[%add3A_112, %dma_wait3A_113] : memref<200x50xi32, #tpu.memory_space<vmem>> -> memref<1x50xi32, #tpu.memory_space<vmem>>
      %dma_wait3A_115 = tpu.memref_squeeze %dma_wait3A_114 : memref<1x50xi32, #tpu.memory_space<vmem>> -> memref<50xi32, #tpu.memory_space<vmem>>
      %dma_wait3A_116 = arith.constant 0 : i32
      %dma_wait3A_117 = arith.constant 0 : i32
      %dma_wait3A_118 = tpu.memref_slice %arg3[%dma_wait3A_116, %dma_wait3A_117] : memref<10000x128xf32, #tpu.memory_space<hbm>> -> memref<10000x128xf32, #tpu.memory_space<hbm>>
      tpu.wait_indirect_dma semaphore(%arg15 : memref<!tpu.dma_semaphore, #tpu.memory_space<semaphore_mem>>) src(%dma_wait3A_118 : memref<10000x128xf32, #tpu.memory_space<hbm>>) dst(%arg10 : memref<50x128xf32, #tpu.memory_space<vmem>>)
      "tpu.region"() ({
        %run_scoped3A_145 = tpu.sem_alloc : memref<!tpu.dma_semaphore, #tpu.memory_space<semaphore_mem>>
        %dma_start3A_146 = arith.constant 0 : i32
        %dma_start3A_147 = tpu.memref_slice %arg7[%add3A_112, %dma_start3A_146] : memref<200x50xi32, #tpu.memory_space<vmem>> -> memref<1x50xi32, #tpu.memory_space<vmem>>
        %dma_start3A_148 = tpu.memref_squeeze %dma_start3A_147 : memref<1x50xi32, #tpu.memory_space<vmem>> -> memref<50xi32, #tpu.memory_space<vmem>>
        %dma_start3A_149 = arith.constant 0 : i32
        %dma_start3A_150 = arith.constant 0 : i32
        %dma_start3A_151 = tpu.memref_slice %arg12[%dma_start3A_149, %dma_start3A_150] : memref<10240x128xf32, #tpu.memory_space<vmem_shared>> -> memref<10240x128xf32, #tpu.memory_space<vmem_shared>>
        tpu.enqueue_indirect_dma source(%arg10 : memref<50x128xf32, #tpu.memory_space<vmem>>) target(%dma_start3A_151 : memref<10240x128xf32, #tpu.memory_space<vmem_shared>>) offsets(%dma_start3A_148 : memref<50xi32, #tpu.memory_space<vmem>>) semaphore(%run_scoped3A_145 : memref<!tpu.dma_semaphore, #tpu.memory_space<semaphore_mem>>) {add = true}
        %dma_wait3A_152 = arith.constant 0 : i32
        %dma_wait3A_153 = tpu.memref_slice %arg7[%add3A_112, %dma_wait3A_152] : memref<200x50xi32, #tpu.memory_space<vmem>> -> memref<1x50xi32, #tpu.memory_space<vmem>>
        %dma_wait3A_154 = tpu.memref_squeeze %dma_wait3A_153 : memref<1x50xi32, #tpu.memory_space<vmem>> -> memref<50xi32, #tpu.memory_space<vmem>>
        %dma_wait3A_155 = arith.constant 0 : i32
        %dma_wait3A_156 = arith.constant 0 : i32
        %dma_wait3A_157 = tpu.memref_slice %arg12[%dma_wait3A_155, %dma_wait3A_156] : memref<10240x128xf32, #tpu.memory_space<vmem_shared>> -> memref<10240x128xf32, #tpu.memory_space<vmem_shared>>
        tpu.wait_indirect_dma semaphore(%run_scoped3A_145 : memref<!tpu.dma_semaphore, #tpu.memory_space<semaphore_mem>>) src(%arg10 : memref<50x128xf32, #tpu.memory_space<vmem>>) dst(%dma_wait3A_157 : memref<10240x128xf32, #tpu.memory_space<vmem_shared>>)
        tpu.yield
      }) : () -> ()
      %add3A_119 = arith.constant 4 : i32
      %add3A_120 = arith.addi %add3A_112, %add3A_119 : i32
      %dma_start3A_121 = arith.constant 0 : i32
      %dma_start3A_122 = tpu.memref_slice %arg6[%add3A_120, %dma_start3A_121] : memref<200x50xi32, #tpu.memory_space<vmem>> -> memref<1x50xi32, #tpu.memory_space<vmem>>
      %dma_start3A_123 = tpu.memref_squeeze %dma_start3A_122 : memref<1x50xi32, #tpu.memory_space<vmem>> -> memref<50xi32, #tpu.memory_space<vmem>>
      %dma_start3A_124 = arith.constant 0 : i32
      %dma_start3A_125 = arith.constant 0 : i32
      %dma_start3A_126 = tpu.memref_slice %arg3[%dma_start3A_124, %dma_start3A_125] : memref<10000x128xf32, #tpu.memory_space<hbm>> -> memref<10000x128xf32, #tpu.memory_space<hbm>>
      tpu.enqueue_indirect_dma source(%dma_start3A_126 : memref<10000x128xf32, #tpu.memory_space<hbm>>) target(%arg10 : memref<50x128xf32, #tpu.memory_space<vmem>>) offsets(%dma_start3A_123 : memref<50xi32, #tpu.memory_space<vmem>>) semaphore(%arg15 : memref<!tpu.dma_semaphore, #tpu.memory_space<semaphore_mem>>)
      %mul3A_127 = arith.constant 4 : i32
      %mul3A_128 = arith.muli %scan3A_72, %mul3A_127 : i32
      %add3A_129 = arith.constant 3 : i32
      %add3A_130 = arith.addi %mul3A_128, %add3A_129 : i32
      %dma_wait3A_131 = arith.constant 0 : i32
      %dma_wait3A_132 = tpu.memref_slice %arg6[%add3A_130, %dma_wait3A_131] : memref<200x50xi32, #tpu.memory_space<vmem>> -> memref<1x50xi32, #tpu.memory_space<vmem>>
      %dma_wait3A_133 = tpu.memref_squeeze %dma_wait3A_132 : memref<1x50xi32, #tpu.memory_space<vmem>> -> memref<50xi32, #tpu.memory_space<vmem>>
      %dma_wait3A_134 = arith.constant 0 : i32
      %dma_wait3A_135 = arith.constant 0 : i32
      %dma_wait3A_136 = tpu.memref_slice %arg3[%dma_wait3A_134, %dma_wait3A_135] : memref<10000x128xf32, #tpu.memory_space<hbm>> -> memref<10000x128xf32, #tpu.memory_space<hbm>>
      tpu.wait_indirect_dma semaphore(%arg16 : memref<!tpu.dma_semaphore, #tpu.memory_space<semaphore_mem>>) src(%dma_wait3A_136 : memref<10000x128xf32, #tpu.memory_space<hbm>>) dst(%arg11 : memref<50x128xf32, #tpu.memory_space<vmem>>)
      "tpu.region"() ({
        %run_scoped3A_145 = tpu.sem_alloc : memref<!tpu.dma_semaphore, #tpu.memory_space<semaphore_mem>>
        %dma_start3A_146 = arith.constant 0 : i32
        %dma_start3A_147 = tpu.memref_slice %arg7[%add3A_130, %dma_start3A_146] : memref<200x50xi32, #tpu.memory_space<vmem>> -> memref<1x50xi32, #tpu.memory_space<vmem>>
        %dma_start3A_148 = tpu.memref_squeeze %dma_start3A_147 : memref<1x50xi32, #tpu.memory_space<vmem>> -> memref<50xi32, #tpu.memory_space<vmem>>
        %dma_start3A_149 = arith.constant 0 : i32
        %dma_start3A_150 = arith.constant 0 : i32
        %dma_start3A_151 = tpu.memref_slice %arg12[%dma_start3A_149, %dma_start3A_150] : memref<10240x128xf32, #tpu.memory_space<vmem_shared>> -> memref<10240x128xf32, #tpu.memory_space<vmem_shared>>
        tpu.enqueue_indirect_dma source(%arg11 : memref<50x128xf32, #tpu.memory_space<vmem>>) target(%dma_start3A_151 : memref<10240x128xf32, #tpu.memory_space<vmem_shared>>) offsets(%dma_start3A_148 : memref<50xi32, #tpu.memory_space<vmem>>) semaphore(%run_scoped3A_145 : memref<!tpu.dma_semaphore, #tpu.memory_space<semaphore_mem>>) {add = true}
        %dma_wait3A_152 = arith.constant 0 : i32
        %dma_wait3A_153 = tpu.memref_slice %arg7[%add3A_130, %dma_wait3A_152] : memref<200x50xi32, #tpu.memory_space<vmem>> -> memref<1x50xi32, #tpu.memory_space<vmem>>
        %dma_wait3A_154 = tpu.memref_squeeze %dma_wait3A_153 : memref<1x50xi32, #tpu.memory_space<vmem>> -> memref<50xi32, #tpu.memory_space<vmem>>
        %dma_wait3A_155 = arith.constant 0 : i32
        %dma_wait3A_156 = arith.constant 0 : i32
        %dma_wait3A_157 = tpu.memref_slice %arg12[%dma_wait3A_155, %dma_wait3A_156] : memref<10240x128xf32, #tpu.memory_space<vmem_shared>> -> memref<10240x128xf32, #tpu.memory_space<vmem_shared>>
        tpu.wait_indirect_dma semaphore(%run_scoped3A_145 : memref<!tpu.dma_semaphore, #tpu.memory_space<semaphore_mem>>) src(%arg11 : memref<50x128xf32, #tpu.memory_space<vmem>>) dst(%dma_wait3A_157 : memref<10240x128xf32, #tpu.memory_space<vmem_shared>>)
        tpu.yield
      }) : () -> ()
      %add3A_137 = arith.constant 4 : i32
      %add3A_138 = arith.addi %add3A_130, %add3A_137 : i32
      %dma_start3A_139 = arith.constant 0 : i32
      %dma_start3A_140 = tpu.memref_slice %arg6[%add3A_138, %dma_start3A_139] : memref<200x50xi32, #tpu.memory_space<vmem>> -> memref<1x50xi32, #tpu.memory_space<vmem>>
      %dma_start3A_141 = tpu.memref_squeeze %dma_start3A_140 : memref<1x50xi32, #tpu.memory_space<vmem>> -> memref<50xi32, #tpu.memory_space<vmem>>
      %dma_start3A_142 = arith.constant 0 : i32
      %dma_start3A_143 = arith.constant 0 : i32
      %dma_start3A_144 = tpu.memref_slice %arg3[%dma_start3A_142, %dma_start3A_143] : memref<10000x128xf32, #tpu.memory_space<hbm>> -> memref<10000x128xf32, #tpu.memory_space<hbm>>
      tpu.enqueue_indirect_dma source(%dma_start3A_144 : memref<10000x128xf32, #tpu.memory_space<hbm>>) target(%arg11 : memref<50x128xf32, #tpu.memory_space<vmem>>) offsets(%dma_start3A_141 : memref<50xi32, #tpu.memory_space<vmem>>) semaphore(%arg16 : memref<!tpu.dma_semaphore, #tpu.memory_space<semaphore_mem>>)
    }
    %scan3A_35 = arith.constant 49 : i32
    %dma_wait3A = arith.constant 196 : i32
    %dma_wait3A_36 = arith.constant 0 : i32
    %dma_wait3A_37 = tpu.memref_slice %arg6[%dma_wait3A, %dma_wait3A_36] : memref<200x50xi32, #tpu.memory_space<vmem>> -> memref<1x50xi32, #tpu.memory_space<vmem>>
    %dma_wait3A_38 = tpu.memref_squeeze %dma_wait3A_37 : memref<1x50xi32, #tpu.memory_space<vmem>> -> memref<50xi32, #tpu.memory_space<vmem>>
    %dma_wait3A_39 = arith.constant 0 : i32
    %dma_wait3A_40 = arith.constant 0 : i32
    %dma_wait3A_41 = tpu.memref_slice %arg3[%dma_wait3A_39, %dma_wait3A_40] : memref<10000x128xf32, #tpu.memory_space<hbm>> -> memref<10000x128xf32, #tpu.memory_space<hbm>>
    tpu.wait_indirect_dma semaphore(%arg13 : memref<!tpu.dma_semaphore, #tpu.memory_space<semaphore_mem>>) src(%dma_wait3A_41 : memref<10000x128xf32, #tpu.memory_space<hbm>>) dst(%arg8 : memref<50x128xf32, #tpu.memory_space<vmem>>)
    %run_scoped3A_42 = arith.constant 196 : i32
    "tpu.region"() ({
      %run_scoped3A_72 = tpu.sem_alloc : memref<!tpu.dma_semaphore, #tpu.memory_space<semaphore_mem>>
      %dma_start3A_73 = arith.constant 0 : i32
      %dma_start3A_74 = tpu.memref_slice %arg7[%run_scoped3A_42, %dma_start3A_73] : memref<200x50xi32, #tpu.memory_space<vmem>> -> memref<1x50xi32, #tpu.memory_space<vmem>>
      %dma_start3A_75 = tpu.memref_squeeze %dma_start3A_74 : memref<1x50xi32, #tpu.memory_space<vmem>> -> memref<50xi32, #tpu.memory_space<vmem>>
      %dma_start3A_76 = arith.constant 0 : i32
      %dma_start3A_77 = arith.constant 0 : i32
      %dma_start3A_78 = tpu.memref_slice %arg12[%dma_start3A_76, %dma_start3A_77] : memref<10240x128xf32, #tpu.memory_space<vmem_shared>> -> memref<10240x128xf32, #tpu.memory_space<vmem_shared>>
      tpu.enqueue_indirect_dma source(%arg8 : memref<50x128xf32, #tpu.memory_space<vmem>>) target(%dma_start3A_78 : memref<10240x128xf32, #tpu.memory_space<vmem_shared>>) offsets(%dma_start3A_75 : memref<50xi32, #tpu.memory_space<vmem>>) semaphore(%run_scoped3A_72 : memref<!tpu.dma_semaphore, #tpu.memory_space<semaphore_mem>>) {add = true}
      %dma_wait3A_79 = arith.constant 0 : i32
      %dma_wait3A_80 = tpu.memref_slice %arg7[%run_scoped3A_42, %dma_wait3A_79] : memref<200x50xi32, #tpu.memory_space<vmem>> -> memref<1x50xi32, #tpu.memory_space<vmem>>
      %dma_wait3A_81 = tpu.memref_squeeze %dma_wait3A_80 : memref<1x50xi32, #tpu.memory_space<vmem>> -> memref<50xi32, #tpu.memory_space<vmem>>
      %dma_wait3A_82 = arith.constant 0 : i32
      %dma_wait3A_83 = arith.constant 0 : i32
      %dma_wait3A_84 = tpu.memref_slice %arg12[%dma_wait3A_82, %dma_wait3A_83] : memref<10240x128xf32, #tpu.memory_space<vmem_shared>> -> memref<10240x128xf32, #tpu.memory_space<vmem_shared>>
      tpu.wait_indirect_dma semaphore(%run_scoped3A_72 : memref<!tpu.dma_semaphore, #tpu.memory_space<semaphore_mem>>) src(%arg8 : memref<50x128xf32, #tpu.memory_space<vmem>>) dst(%dma_wait3A_84 : memref<10240x128xf32, #tpu.memory_space<vmem_shared>>)
      tpu.yield
    }) : () -> ()
    %dma_wait3A_43 = arith.constant 197 : i32
    %dma_wait3A_44 = arith.constant 0 : i32
    %dma_wait3A_45 = tpu.memref_slice %arg6[%dma_wait3A_43, %dma_wait3A_44] : memref<200x50xi32, #tpu.memory_space<vmem>> -> memref<1x50xi32, #tpu.memory_space<vmem>>
    %dma_wait3A_46 = tpu.memref_squeeze %dma_wait3A_45 : memref<1x50xi32, #tpu.memory_space<vmem>> -> memref<50xi32, #tpu.memory_space<vmem>>
    %dma_wait3A_47 = arith.constant 0 : i32
    %dma_wait3A_48 = arith.constant 0 : i32
    %dma_wait3A_49 = tpu.memref_slice %arg3[%dma_wait3A_47, %dma_wait3A_48] : memref<10000x128xf32, #tpu.memory_space<hbm>> -> memref<10000x128xf32, #tpu.memory_space<hbm>>
    tpu.wait_indirect_dma semaphore(%arg14 : memref<!tpu.dma_semaphore, #tpu.memory_space<semaphore_mem>>) src(%dma_wait3A_49 : memref<10000x128xf32, #tpu.memory_space<hbm>>) dst(%arg9 : memref<50x128xf32, #tpu.memory_space<vmem>>)
    %run_scoped3A_50 = arith.constant 197 : i32
    "tpu.region"() ({
      %run_scoped3A_72 = tpu.sem_alloc : memref<!tpu.dma_semaphore, #tpu.memory_space<semaphore_mem>>
      %dma_start3A_73 = arith.constant 0 : i32
      %dma_start3A_74 = tpu.memref_slice %arg7[%run_scoped3A_50, %dma_start3A_73] : memref<200x50xi32, #tpu.memory_space<vmem>> -> memref<1x50xi32, #tpu.memory_space<vmem>>
      %dma_start3A_75 = tpu.memref_squeeze %dma_start3A_74 : memref<1x50xi32, #tpu.memory_space<vmem>> -> memref<50xi32, #tpu.memory_space<vmem>>
      %dma_start3A_76 = arith.constant 0 : i32
      %dma_start3A_77 = arith.constant 0 : i32
      %dma_start3A_78 = tpu.memref_slice %arg12[%dma_start3A_76, %dma_start3A_77] : memref<10240x128xf32, #tpu.memory_space<vmem_shared>> -> memref<10240x128xf32, #tpu.memory_space<vmem_shared>>
      tpu.enqueue_indirect_dma source(%arg9 : memref<50x128xf32, #tpu.memory_space<vmem>>) target(%dma_start3A_78 : memref<10240x128xf32, #tpu.memory_space<vmem_shared>>) offsets(%dma_start3A_75 : memref<50xi32, #tpu.memory_space<vmem>>) semaphore(%run_scoped3A_72 : memref<!tpu.dma_semaphore, #tpu.memory_space<semaphore_mem>>) {add = true}
      %dma_wait3A_79 = arith.constant 0 : i32
      %dma_wait3A_80 = tpu.memref_slice %arg7[%run_scoped3A_50, %dma_wait3A_79] : memref<200x50xi32, #tpu.memory_space<vmem>> -> memref<1x50xi32, #tpu.memory_space<vmem>>
      %dma_wait3A_81 = tpu.memref_squeeze %dma_wait3A_80 : memref<1x50xi32, #tpu.memory_space<vmem>> -> memref<50xi32, #tpu.memory_space<vmem>>
      %dma_wait3A_82 = arith.constant 0 : i32
      %dma_wait3A_83 = arith.constant 0 : i32
      %dma_wait3A_84 = tpu.memref_slice %arg12[%dma_wait3A_82, %dma_wait3A_83] : memref<10240x128xf32, #tpu.memory_space<vmem_shared>> -> memref<10240x128xf32, #tpu.memory_space<vmem_shared>>
      tpu.wait_indirect_dma semaphore(%run_scoped3A_72 : memref<!tpu.dma_semaphore, #tpu.memory_space<semaphore_mem>>) src(%arg9 : memref<50x128xf32, #tpu.memory_space<vmem>>) dst(%dma_wait3A_84 : memref<10240x128xf32, #tpu.memory_space<vmem_shared>>)
      tpu.yield
    }) : () -> ()
    %dma_wait3A_51 = arith.constant 198 : i32
    %dma_wait3A_52 = arith.constant 0 : i32
    %dma_wait3A_53 = tpu.memref_slice %arg6[%dma_wait3A_51, %dma_wait3A_52] : memref<200x50xi32, #tpu.memory_space<vmem>> -> memref<1x50xi32, #tpu.memory_space<vmem>>
    %dma_wait3A_54 = tpu.memref_squeeze %dma_wait3A_53 : memref<1x50xi32, #tpu.memory_space<vmem>> -> memref<50xi32, #tpu.memory_space<vmem>>
    %dma_wait3A_55 = arith.constant 0 : i32
    %dma_wait3A_56 = arith.constant 0 : i32
    %dma_wait3A_57 = tpu.memref_slice %arg3[%dma_wait3A_55, %dma_wait3A_56] : memref<10000x128xf32, #tpu.memory_space<hbm>> -> memref<10000x128xf32, #tpu.memory_space<hbm>>
    tpu.wait_indirect_dma semaphore(%arg15 : memref<!tpu.dma_semaphore, #tpu.memory_space<semaphore_mem>>) src(%dma_wait3A_57 : memref<10000x128xf32, #tpu.memory_space<hbm>>) dst(%arg10 : memref<50x128xf32, #tpu.memory_space<vmem>>)
    %run_scoped3A_58 = arith.constant 198 : i32
    "tpu.region"() ({
      %run_scoped3A_72 = tpu.sem_alloc : memref<!tpu.dma_semaphore, #tpu.memory_space<semaphore_mem>>
      %dma_start3A_73 = arith.constant 0 : i32
      %dma_start3A_74 = tpu.memref_slice %arg7[%run_scoped3A_58, %dma_start3A_73] : memref<200x50xi32, #tpu.memory_space<vmem>> -> memref<1x50xi32, #tpu.memory_space<vmem>>
      %dma_start3A_75 = tpu.memref_squeeze %dma_start3A_74 : memref<1x50xi32, #tpu.memory_space<vmem>> -> memref<50xi32, #tpu.memory_space<vmem>>
      %dma_start3A_76 = arith.constant 0 : i32
      %dma_start3A_77 = arith.constant 0 : i32
      %dma_start3A_78 = tpu.memref_slice %arg12[%dma_start3A_76, %dma_start3A_77] : memref<10240x128xf32, #tpu.memory_space<vmem_shared>> -> memref<10240x128xf32, #tpu.memory_space<vmem_shared>>
      tpu.enqueue_indirect_dma source(%arg10 : memref<50x128xf32, #tpu.memory_space<vmem>>) target(%dma_start3A_78 : memref<10240x128xf32, #tpu.memory_space<vmem_shared>>) offsets(%dma_start3A_75 : memref<50xi32, #tpu.memory_space<vmem>>) semaphore(%run_scoped3A_72 : memref<!tpu.dma_semaphore, #tpu.memory_space<semaphore_mem>>) {add = true}
      %dma_wait3A_79 = arith.constant 0 : i32
      %dma_wait3A_80 = tpu.memref_slice %arg7[%run_scoped3A_58, %dma_wait3A_79] : memref<200x50xi32, #tpu.memory_space<vmem>> -> memref<1x50xi32, #tpu.memory_space<vmem>>
      %dma_wait3A_81 = tpu.memref_squeeze %dma_wait3A_80 : memref<1x50xi32, #tpu.memory_space<vmem>> -> memref<50xi32, #tpu.memory_space<vmem>>
      %dma_wait3A_82 = arith.constant 0 : i32
      %dma_wait3A_83 = arith.constant 0 : i32
      %dma_wait3A_84 = tpu.memref_slice %arg12[%dma_wait3A_82, %dma_wait3A_83] : memref<10240x128xf32, #tpu.memory_space<vmem_shared>> -> memref<10240x128xf32, #tpu.memory_space<vmem_shared>>
      tpu.wait_indirect_dma semaphore(%run_scoped3A_72 : memref<!tpu.dma_semaphore, #tpu.memory_space<semaphore_mem>>) src(%arg10 : memref<50x128xf32, #tpu.memory_space<vmem>>) dst(%dma_wait3A_84 : memref<10240x128xf32, #tpu.memory_space<vmem_shared>>)
      tpu.yield
    }) : () -> ()
    %dma_wait3A_59 = arith.constant 199 : i32
    %dma_wait3A_60 = arith.constant 0 : i32
    %dma_wait3A_61 = tpu.memref_slice %arg6[%dma_wait3A_59, %dma_wait3A_60] : memref<200x50xi32, #tpu.memory_space<vmem>> -> memref<1x50xi32, #tpu.memory_space<vmem>>
    %dma_wait3A_62 = tpu.memref_squeeze %dma_wait3A_61 : memref<1x50xi32, #tpu.memory_space<vmem>> -> memref<50xi32, #tpu.memory_space<vmem>>
    %dma_wait3A_63 = arith.constant 0 : i32
    %dma_wait3A_64 = arith.constant 0 : i32
    %dma_wait3A_65 = tpu.memref_slice %arg3[%dma_wait3A_63, %dma_wait3A_64] : memref<10000x128xf32, #tpu.memory_space<hbm>> -> memref<10000x128xf32, #tpu.memory_space<hbm>>
    tpu.wait_indirect_dma semaphore(%arg16 : memref<!tpu.dma_semaphore, #tpu.memory_space<semaphore_mem>>) src(%dma_wait3A_65 : memref<10000x128xf32, #tpu.memory_space<hbm>>) dst(%arg11 : memref<50x128xf32, #tpu.memory_space<vmem>>)
    %run_scoped3A_66 = arith.constant 199 : i32
    "tpu.region"() ({
      %run_scoped3A_72 = tpu.sem_alloc : memref<!tpu.dma_semaphore, #tpu.memory_space<semaphore_mem>>
      %dma_start3A_73 = arith.constant 0 : i32
      %dma_start3A_74 = tpu.memref_slice %arg7[%run_scoped3A_66, %dma_start3A_73] : memref<200x50xi32, #tpu.memory_space<vmem>> -> memref<1x50xi32, #tpu.memory_space<vmem>>
      %dma_start3A_75 = tpu.memref_squeeze %dma_start3A_74 : memref<1x50xi32, #tpu.memory_space<vmem>> -> memref<50xi32, #tpu.memory_space<vmem>>
      %dma_start3A_76 = arith.constant 0 : i32
      %dma_start3A_77 = arith.constant 0 : i32
      %dma_start3A_78 = tpu.memref_slice %arg12[%dma_start3A_76, %dma_start3A_77] : memref<10240x128xf32, #tpu.memory_space<vmem_shared>> -> memref<10240x128xf32, #tpu.memory_space<vmem_shared>>
      tpu.enqueue_indirect_dma source(%arg11 : memref<50x128xf32, #tpu.memory_space<vmem>>) target(%dma_start3A_78 : memref<10240x128xf32, #tpu.memory_space<vmem_shared>>) offsets(%dma_start3A_75 : memref<50xi32, #tpu.memory_space<vmem>>) semaphore(%run_scoped3A_72 : memref<!tpu.dma_semaphore, #tpu.memory_space<semaphore_mem>>) {add = true}
      %dma_wait3A_79 = arith.constant 0 : i32
      %dma_wait3A_80 = tpu.memref_slice %arg7[%run_scoped3A_66, %dma_wait3A_79] : memref<200x50xi32, #tpu.memory_space<vmem>> -> memref<1x50xi32, #tpu.memory_space<vmem>>
      %dma_wait3A_81 = tpu.memref_squeeze %dma_wait3A_80 : memref<1x50xi32, #tpu.memory_space<vmem>> -> memref<50xi32, #tpu.memory_space<vmem>>
      %dma_wait3A_82 = arith.constant 0 : i32
      %dma_wait3A_83 = arith.constant 0 : i32
      %dma_wait3A_84 = tpu.memref_slice %arg12[%dma_wait3A_82, %dma_wait3A_83] : memref<10240x128xf32, #tpu.memory_space<vmem_shared>> -> memref<10240x128xf32, #tpu.memory_space<vmem_shared>>
      tpu.wait_indirect_dma semaphore(%run_scoped3A_72 : memref<!tpu.dma_semaphore, #tpu.memory_space<semaphore_mem>>) src(%arg11 : memref<50x128xf32, #tpu.memory_space<vmem>>) dst(%dma_wait3A_84 : memref<10240x128xf32, #tpu.memory_space<vmem_shared>>)
      tpu.yield
    }) : () -> ()
    %barrier3A_67 = arith.constant 0 : index
    tpu.barrier barrier_id(%barrier3A_67)
    %mul3A_68 = arith.constant 640 : i32
    %mul3A_69 = arith.muli %arg1, %mul3A_68 : i32
    %mul3A_70 = arith.constant 640 : i32
    %mul3A_71 = arith.muli %arg1, %mul3A_70 : i32
    "tpu.region"() ({
      %run_scoped3A_72 = tpu.sem_alloc : memref<!tpu.dma_semaphore, #tpu.memory_space<semaphore_mem>>
      %dma_start3A_73 = arith.constant 0 : i32
      %dma_start3A_74 = tpu.memref_slice %arg5[%arg0, %mul3A_71, %dma_start3A_73] : memref<2x10240x128xf32, #tpu.memory_space<hbm>> -> memref<1x640x128xf32, #tpu.memory_space<hbm>>
      %dma_start3A_75 = tpu.memref_squeeze %dma_start3A_74 : memref<1x640x128xf32, #tpu.memory_space<hbm>> -> memref<640x128xf32, #tpu.memory_space<hbm>>
      %dma_start3A_76 = arith.constant 0 : i32
      %dma_start3A_77 = tpu.memref_slice %arg12[%mul3A_69, %dma_start3A_76] : memref<10240x128xf32, #tpu.memory_space<vmem_shared>> -> memref<640x128xf32, #tpu.memory_space<vmem_shared>>
      tpu.enqueue_dma source(%dma_start3A_77 : memref<640x128xf32, #tpu.memory_space<vmem_shared>>) target(%dma_start3A_75 : memref<640x128xf32, #tpu.memory_space<hbm>>) target_semaphore(%run_scoped3A_72 : memref<!tpu.dma_semaphore, #tpu.memory_space<semaphore_mem>>)
      %dma_wait3A_78 = arith.constant 0 : i32
      %dma_wait3A_79 = tpu.memref_slice %arg5[%arg0, %mul3A_71, %dma_wait3A_78] : memref<2x10240x128xf32, #tpu.memory_space<hbm>> -> memref<1x640x128xf32, #tpu.memory_space<hbm>>
      %dma_wait3A_80 = tpu.memref_squeeze %dma_wait3A_79 : memref<1x640x128xf32, #tpu.memory_space<hbm>> -> memref<640x128xf32, #tpu.memory_space<hbm>>
      %dma_wait3A_81 = arith.constant 0 : i32
      %dma_wait3A_82 = tpu.memref_slice %arg12[%mul3A_69, %dma_wait3A_81] : memref<10240x128xf32, #tpu.memory_space<vmem_shared>> -> memref<640x128xf32, #tpu.memory_space<vmem_shared>>
      tpu.wait_dma2 semaphore(%run_scoped3A_72 : memref<!tpu.dma_semaphore, #tpu.memory_space<semaphore_mem>>) src(%dma_wait3A_82 : memref<640x128xf32, #tpu.memory_space<vmem_shared>>) dst(%dma_wait3A_80 : memref<640x128xf32, #tpu.memory_space<hbm>>)
      tpu.yield
    }) : () -> ()
    return
  }
}

#map = affine_map<(d0, d1) -> (0, 0, 0, 0)>
#map1 = affine_map<(d0, d1) -> (0, 0)>
#map2 = affine_map<(d0, d1) -> (0, 0, 0)>
module attributes {stable_mosaic.version = 14 : i64} {
  func.func @agg_kernel(%arg0: i32, %arg1: i32, %arg2: memref<2x32x100x100xi32, #tpu.memory_space<hbm>>, %arg3: memref<10000x16xf32, #tpu.memory_space<hbm>>, %arg4: memref<640x16xf32, #tpu.memory_space<hbm>>, %arg5: memref<2x10240x16xf32, #tpu.memory_space<hbm>>, %arg6: memref<100x100xi32, #tpu.memory_space<vmem>>, %arg7: memref<100x100xi32, #tpu.memory_space<vmem>>, %arg8: memref<100x16xf32, #tpu.memory_space<vmem>>, %arg9: memref<100x16xf32, #tpu.memory_space<vmem>>, %arg10: memref<100x16xf32, #tpu.memory_space<vmem>>, %arg11: memref<100x16xf32, #tpu.memory_space<vmem>>, %arg12: memref<10240x16xf32, #tpu.memory_space<vmem_shared>>, %arg13: memref<10000x16xf32, #tpu.memory_space<vmem_shared>>, %arg14: memref<!tpu.dma_semaphore, #tpu.memory_space<semaphore_mem>>, %arg15: memref<!tpu.dma_semaphore, #tpu.memory_space<semaphore_mem>>, %arg16: memref<!tpu.dma_semaphore, #tpu.memory_space<semaphore_mem>>, %arg17: memref<!tpu.dma_semaphore, #tpu.memory_space<semaphore_mem>>) attributes {dimension_semantics = [#tpu.dimension_semantics<core_parallel>, #tpu.dimension_semantics<subcore_parallel>], iteration_bounds = array<i64: 2, 16>, scalar_prefetch = 0 : i64, scratch_operands = 12 : i64, tpu.core_type = #tpu.core_type<sc_vector_subcore>, window_params = [{transform_indices = #map}, {transform_indices = #map1}, {transform_indices = #map1}, {transform_indices = #map2}]} {
    %mul3A = arith.constant 2 : i32
    %mul3A_0 = arith.muli %arg1, %mul3A : i32
    %add3A = arith.addi %mul3A_0, %arg0 : i32
    %run_scoped3A = arith.constant 0 : i32
    "tpu.region"() ({
      %run_scoped3A_76 = tpu.sem_alloc : memref<!tpu.dma_semaphore, #tpu.memory_space<semaphore_mem>>
      %dma_start3A_77 = arith.constant 0 : i32
      %dma_start3A_78 = arith.constant 0 : i32
      %dma_start3A_79 = tpu.memref_slice %arg2[%run_scoped3A, %add3A, %dma_start3A_77, %dma_start3A_78] : memref<2x32x100x100xi32, #tpu.memory_space<hbm>> -> memref<1x1x100x100xi32, #tpu.memory_space<hbm>>
      %dma_start3A_80 = tpu.memref_squeeze %dma_start3A_79 : memref<1x1x100x100xi32, #tpu.memory_space<hbm>> -> memref<100x100xi32, #tpu.memory_space<hbm>>
      %dma_start3A_81 = arith.constant 0 : i32
      %dma_start3A_82 = arith.constant 0 : i32
      %dma_start3A_83 = tpu.memref_slice %arg2[%run_scoped3A, %add3A, %dma_start3A_81, %dma_start3A_82] : memref<2x32x100x100xi32, #tpu.memory_space<hbm>> -> memref<1x1x100x100xi32, #tpu.memory_space<hbm>>
      %dma_start3A_84 = tpu.memref_squeeze %dma_start3A_83 : memref<1x1x100x100xi32, #tpu.memory_space<hbm>> -> memref<100x100xi32, #tpu.memory_space<hbm>>
      tpu.enqueue_dma source(%dma_start3A_84 : memref<100x100xi32, #tpu.memory_space<hbm>>) target(%arg6 : memref<100x100xi32, #tpu.memory_space<vmem>>) target_semaphore(%run_scoped3A_76 : memref<!tpu.dma_semaphore, #tpu.memory_space<semaphore_mem>>)
      %dma_wait3A_85 = arith.constant 0 : i32
      %dma_wait3A_86 = arith.constant 0 : i32
      %dma_wait3A_87 = tpu.memref_slice %arg2[%run_scoped3A, %add3A, %dma_wait3A_85, %dma_wait3A_86] : memref<2x32x100x100xi32, #tpu.memory_space<hbm>> -> memref<1x1x100x100xi32, #tpu.memory_space<hbm>>
      %dma_wait3A_88 = tpu.memref_squeeze %dma_wait3A_87 : memref<1x1x100x100xi32, #tpu.memory_space<hbm>> -> memref<100x100xi32, #tpu.memory_space<hbm>>
      %dma_wait3A_89 = arith.constant 0 : i32
      %dma_wait3A_90 = arith.constant 0 : i32
      %dma_wait3A_91 = tpu.memref_slice %arg2[%run_scoped3A, %add3A, %dma_wait3A_89, %dma_wait3A_90] : memref<2x32x100x100xi32, #tpu.memory_space<hbm>> -> memref<1x1x100x100xi32, #tpu.memory_space<hbm>>
      %dma_wait3A_92 = tpu.memref_squeeze %dma_wait3A_91 : memref<1x1x100x100xi32, #tpu.memory_space<hbm>> -> memref<100x100xi32, #tpu.memory_space<hbm>>
      tpu.wait_dma2 semaphore(%run_scoped3A_76 : memref<!tpu.dma_semaphore, #tpu.memory_space<semaphore_mem>>) src(%dma_wait3A_92 : memref<100x100xi32, #tpu.memory_space<hbm>>) dst(%arg6 : memref<100x100xi32, #tpu.memory_space<vmem>>)
      tpu.yield
    }) : () -> ()
    %run_scoped3A_1 = arith.constant 1 : i32
    "tpu.region"() ({
      %run_scoped3A_76 = tpu.sem_alloc : memref<!tpu.dma_semaphore, #tpu.memory_space<semaphore_mem>>
      %dma_start3A_77 = arith.constant 0 : i32
      %dma_start3A_78 = arith.constant 0 : i32
      %dma_start3A_79 = tpu.memref_slice %arg2[%run_scoped3A_1, %add3A, %dma_start3A_77, %dma_start3A_78] : memref<2x32x100x100xi32, #tpu.memory_space<hbm>> -> memref<1x1x100x100xi32, #tpu.memory_space<hbm>>
      %dma_start3A_80 = tpu.memref_squeeze %dma_start3A_79 : memref<1x1x100x100xi32, #tpu.memory_space<hbm>> -> memref<100x100xi32, #tpu.memory_space<hbm>>
      %dma_start3A_81 = arith.constant 0 : i32
      %dma_start3A_82 = arith.constant 0 : i32
      %dma_start3A_83 = tpu.memref_slice %arg2[%run_scoped3A_1, %add3A, %dma_start3A_81, %dma_start3A_82] : memref<2x32x100x100xi32, #tpu.memory_space<hbm>> -> memref<1x1x100x100xi32, #tpu.memory_space<hbm>>
      %dma_start3A_84 = tpu.memref_squeeze %dma_start3A_83 : memref<1x1x100x100xi32, #tpu.memory_space<hbm>> -> memref<100x100xi32, #tpu.memory_space<hbm>>
      tpu.enqueue_dma source(%dma_start3A_84 : memref<100x100xi32, #tpu.memory_space<hbm>>) target(%arg7 : memref<100x100xi32, #tpu.memory_space<vmem>>) target_semaphore(%run_scoped3A_76 : memref<!tpu.dma_semaphore, #tpu.memory_space<semaphore_mem>>)
      %dma_wait3A_85 = arith.constant 0 : i32
      %dma_wait3A_86 = arith.constant 0 : i32
      %dma_wait3A_87 = tpu.memref_slice %arg2[%run_scoped3A_1, %add3A, %dma_wait3A_85, %dma_wait3A_86] : memref<2x32x100x100xi32, #tpu.memory_space<hbm>> -> memref<1x1x100x100xi32, #tpu.memory_space<hbm>>
      %dma_wait3A_88 = tpu.memref_squeeze %dma_wait3A_87 : memref<1x1x100x100xi32, #tpu.memory_space<hbm>> -> memref<100x100xi32, #tpu.memory_space<hbm>>
      %dma_wait3A_89 = arith.constant 0 : i32
      %dma_wait3A_90 = arith.constant 0 : i32
      %dma_wait3A_91 = tpu.memref_slice %arg2[%run_scoped3A_1, %add3A, %dma_wait3A_89, %dma_wait3A_90] : memref<2x32x100x100xi32, #tpu.memory_space<hbm>> -> memref<1x1x100x100xi32, #tpu.memory_space<hbm>>
      %dma_wait3A_92 = tpu.memref_squeeze %dma_wait3A_91 : memref<1x1x100x100xi32, #tpu.memory_space<hbm>> -> memref<100x100xi32, #tpu.memory_space<hbm>>
      tpu.wait_dma2 semaphore(%run_scoped3A_76 : memref<!tpu.dma_semaphore, #tpu.memory_space<semaphore_mem>>) src(%dma_wait3A_92 : memref<100x100xi32, #tpu.memory_space<hbm>>) dst(%arg7 : memref<100x100xi32, #tpu.memory_space<vmem>>)
      tpu.yield
    }) : () -> ()
    %mul3A_2 = arith.constant 640 : i32
    %mul3A_3 = arith.muli %arg1, %mul3A_2 : i32
    "tpu.region"() ({
      %run_scoped3A_76 = tpu.sem_alloc : memref<!tpu.dma_semaphore, #tpu.memory_space<semaphore_mem>>
      %dma_start3A_77 = arith.constant 0 : i32
      %dma_start3A_78 = tpu.memref_slice %arg12[%mul3A_3, %dma_start3A_77] : memref<10240x16xf32, #tpu.memory_space<vmem_shared>> -> memref<640x16xf32, #tpu.memory_space<vmem_shared>>
      tpu.enqueue_dma source(%arg4 : memref<640x16xf32, #tpu.memory_space<hbm>>) target(%dma_start3A_78 : memref<640x16xf32, #tpu.memory_space<vmem_shared>>) target_semaphore(%run_scoped3A_76 : memref<!tpu.dma_semaphore, #tpu.memory_space<semaphore_mem>>)
      %dma_wait3A_79 = arith.constant 0 : i32
      %dma_wait3A_80 = tpu.memref_slice %arg12[%mul3A_3, %dma_wait3A_79] : memref<10240x16xf32, #tpu.memory_space<vmem_shared>> -> memref<640x16xf32, #tpu.memory_space<vmem_shared>>
      tpu.wait_dma2 semaphore(%run_scoped3A_76 : memref<!tpu.dma_semaphore, #tpu.memory_space<semaphore_mem>>) src(%arg4 : memref<640x16xf32, #tpu.memory_space<hbm>>) dst(%dma_wait3A_80 : memref<640x16xf32, #tpu.memory_space<vmem_shared>>)
      tpu.yield
    }) : () -> ()
    %mul3A_4 = arith.constant 625 : i32
    %mul3A_5 = arith.muli %arg1, %mul3A_4 : i32
    %mul3A_6 = arith.constant 625 : i32
    %mul3A_7 = arith.muli %arg1, %mul3A_6 : i32
    "tpu.region"() ({
      %run_scoped3A_76 = tpu.sem_alloc : memref<!tpu.dma_semaphore, #tpu.memory_space<semaphore_mem>>
      %dma_start3A_77 = arith.constant 0 : i32
      %dma_start3A_78 = tpu.memref_slice %arg13[%mul3A_7, %dma_start3A_77] : memref<10000x16xf32, #tpu.memory_space<vmem_shared>> -> memref<625x16xf32, #tpu.memory_space<vmem_shared>>
      %dma_start3A_79 = arith.constant 0 : i32
      %dma_start3A_80 = tpu.memref_slice %arg3[%mul3A_5, %dma_start3A_79] : memref<10000x16xf32, #tpu.memory_space<hbm>> -> memref<625x16xf32, #tpu.memory_space<hbm>>
      tpu.enqueue_dma source(%dma_start3A_80 : memref<625x16xf32, #tpu.memory_space<hbm>>) target(%dma_start3A_78 : memref<625x16xf32, #tpu.memory_space<vmem_shared>>) target_semaphore(%run_scoped3A_76 : memref<!tpu.dma_semaphore, #tpu.memory_space<semaphore_mem>>)
      %dma_wait3A_81 = arith.constant 0 : i32
      %dma_wait3A_82 = tpu.memref_slice %arg13[%mul3A_7, %dma_wait3A_81] : memref<10000x16xf32, #tpu.memory_space<vmem_shared>> -> memref<625x16xf32, #tpu.memory_space<vmem_shared>>
      %dma_wait3A_83 = arith.constant 0 : i32
      %dma_wait3A_84 = tpu.memref_slice %arg3[%mul3A_5, %dma_wait3A_83] : memref<10000x16xf32, #tpu.memory_space<hbm>> -> memref<625x16xf32, #tpu.memory_space<hbm>>
      tpu.wait_dma2 semaphore(%run_scoped3A_76 : memref<!tpu.dma_semaphore, #tpu.memory_space<semaphore_mem>>) src(%dma_wait3A_84 : memref<625x16xf32, #tpu.memory_space<hbm>>) dst(%dma_wait3A_82 : memref<625x16xf32, #tpu.memory_space<vmem_shared>>)
      tpu.yield
    }) : () -> ()
    %barrier3A = arith.constant 0 : index
    tpu.barrier barrier_id(%barrier3A)
    %dma_start3A = arith.constant 0 : i32
    %dma_start3A_8 = arith.constant 0 : i32
    %dma_start3A_9 = tpu.memref_slice %arg6[%dma_start3A, %dma_start3A_8] : memref<100x100xi32, #tpu.memory_space<vmem>> -> memref<1x100xi32, #tpu.memory_space<vmem>>
    %dma_start3A_10 = tpu.memref_squeeze %dma_start3A_9 : memref<1x100xi32, #tpu.memory_space<vmem>> -> memref<100xi32, #tpu.memory_space<vmem>>
    %dma_start3A_11 = arith.constant 0 : i32
    %dma_start3A_12 = arith.constant 0 : i32
    %dma_start3A_13 = tpu.memref_slice %arg13[%dma_start3A_11, %dma_start3A_12] : memref<10000x16xf32, #tpu.memory_space<vmem_shared>> -> memref<10000x16xf32, #tpu.memory_space<vmem_shared>>
    tpu.enqueue_indirect_dma source(%dma_start3A_13 : memref<10000x16xf32, #tpu.memory_space<vmem_shared>>) target(%arg8 : memref<100x16xf32, #tpu.memory_space<vmem>>) offsets(%dma_start3A_10 : memref<100xi32, #tpu.memory_space<vmem>>) semaphore(%arg14 : memref<!tpu.dma_semaphore, #tpu.memory_space<semaphore_mem>>)
    %dma_start3A_14 = arith.constant 1 : i32
    %dma_start3A_15 = arith.constant 0 : i32
    %dma_start3A_16 = tpu.memref_slice %arg6[%dma_start3A_14, %dma_start3A_15] : memref<100x100xi32, #tpu.memory_space<vmem>> -> memref<1x100xi32, #tpu.memory_space<vmem>>
    %dma_start3A_17 = tpu.memref_squeeze %dma_start3A_16 : memref<1x100xi32, #tpu.memory_space<vmem>> -> memref<100xi32, #tpu.memory_space<vmem>>
    %dma_start3A_18 = arith.constant 0 : i32
    %dma_start3A_19 = arith.constant 0 : i32
    %dma_start3A_20 = tpu.memref_slice %arg13[%dma_start3A_18, %dma_start3A_19] : memref<10000x16xf32, #tpu.memory_space<vmem_shared>> -> memref<10000x16xf32, #tpu.memory_space<vmem_shared>>
    tpu.enqueue_indirect_dma source(%dma_start3A_20 : memref<10000x16xf32, #tpu.memory_space<vmem_shared>>) target(%arg9 : memref<100x16xf32, #tpu.memory_space<vmem>>) offsets(%dma_start3A_17 : memref<100xi32, #tpu.memory_space<vmem>>) semaphore(%arg15 : memref<!tpu.dma_semaphore, #tpu.memory_space<semaphore_mem>>)
    %dma_start3A_21 = arith.constant 2 : i32
    %dma_start3A_22 = arith.constant 0 : i32
    %dma_start3A_23 = tpu.memref_slice %arg6[%dma_start3A_21, %dma_start3A_22] : memref<100x100xi32, #tpu.memory_space<vmem>> -> memref<1x100xi32, #tpu.memory_space<vmem>>
    %dma_start3A_24 = tpu.memref_squeeze %dma_start3A_23 : memref<1x100xi32, #tpu.memory_space<vmem>> -> memref<100xi32, #tpu.memory_space<vmem>>
    %dma_start3A_25 = arith.constant 0 : i32
    %dma_start3A_26 = arith.constant 0 : i32
    %dma_start3A_27 = tpu.memref_slice %arg13[%dma_start3A_25, %dma_start3A_26] : memref<10000x16xf32, #tpu.memory_space<vmem_shared>> -> memref<10000x16xf32, #tpu.memory_space<vmem_shared>>
    tpu.enqueue_indirect_dma source(%dma_start3A_27 : memref<10000x16xf32, #tpu.memory_space<vmem_shared>>) target(%arg10 : memref<100x16xf32, #tpu.memory_space<vmem>>) offsets(%dma_start3A_24 : memref<100xi32, #tpu.memory_space<vmem>>) semaphore(%arg16 : memref<!tpu.dma_semaphore, #tpu.memory_space<semaphore_mem>>)
    %dma_start3A_28 = arith.constant 3 : i32
    %dma_start3A_29 = arith.constant 0 : i32
    %dma_start3A_30 = tpu.memref_slice %arg6[%dma_start3A_28, %dma_start3A_29] : memref<100x100xi32, #tpu.memory_space<vmem>> -> memref<1x100xi32, #tpu.memory_space<vmem>>
    %dma_start3A_31 = tpu.memref_squeeze %dma_start3A_30 : memref<1x100xi32, #tpu.memory_space<vmem>> -> memref<100xi32, #tpu.memory_space<vmem>>
    %dma_start3A_32 = arith.constant 0 : i32
    %dma_start3A_33 = arith.constant 0 : i32
    %dma_start3A_34 = tpu.memref_slice %arg13[%dma_start3A_32, %dma_start3A_33] : memref<10000x16xf32, #tpu.memory_space<vmem_shared>> -> memref<10000x16xf32, #tpu.memory_space<vmem_shared>>
    tpu.enqueue_indirect_dma source(%dma_start3A_34 : memref<10000x16xf32, #tpu.memory_space<vmem_shared>>) target(%arg11 : memref<100x16xf32, #tpu.memory_space<vmem>>) offsets(%dma_start3A_31 : memref<100xi32, #tpu.memory_space<vmem>>) semaphore(%arg17 : memref<!tpu.dma_semaphore, #tpu.memory_space<semaphore_mem>>)
    %scan3A = arith.constant 0 : i32
    %scan3A_35 = arith.constant 0 : i32
    %scan3A_36 = arith.constant 24 : i32
    %scan3A_37 = arith.addi %scan3A_35, %scan3A_36 : i32
    %scan3A_38 = arith.constant 1 : i32
    scf.for %scan3A_76 = %scan3A_35 to %scan3A_37 step %scan3A_38  : i32 {
      %mul3A_77 = arith.constant 4 : i32
      %mul3A_78 = arith.muli %scan3A_76, %mul3A_77 : i32
      %add3A_79 = arith.constant 0 : i32
      %add3A_80 = arith.addi %mul3A_78, %add3A_79 : i32
      %dma_wait3A_81 = arith.constant 0 : i32
      %dma_wait3A_82 = tpu.memref_slice %arg6[%add3A_80, %dma_wait3A_81] : memref<100x100xi32, #tpu.memory_space<vmem>> -> memref<1x100xi32, #tpu.memory_space<vmem>>
      %dma_wait3A_83 = tpu.memref_squeeze %dma_wait3A_82 : memref<1x100xi32, #tpu.memory_space<vmem>> -> memref<100xi32, #tpu.memory_space<vmem>>
      %dma_wait3A_84 = arith.constant 0 : i32
      %dma_wait3A_85 = arith.constant 0 : i32
      %dma_wait3A_86 = tpu.memref_slice %arg13[%dma_wait3A_84, %dma_wait3A_85] : memref<10000x16xf32, #tpu.memory_space<vmem_shared>> -> memref<10000x16xf32, #tpu.memory_space<vmem_shared>>
      tpu.wait_indirect_dma semaphore(%arg14 : memref<!tpu.dma_semaphore, #tpu.memory_space<semaphore_mem>>) src(%dma_wait3A_86 : memref<10000x16xf32, #tpu.memory_space<vmem_shared>>) dst(%arg8 : memref<100x16xf32, #tpu.memory_space<vmem>>)
      "tpu.region"() ({
        %run_scoped3A_149 = tpu.sem_alloc : memref<!tpu.dma_semaphore, #tpu.memory_space<semaphore_mem>>
        %dma_start3A_150 = arith.constant 0 : i32
        %dma_start3A_151 = tpu.memref_slice %arg7[%add3A_80, %dma_start3A_150] : memref<100x100xi32, #tpu.memory_space<vmem>> -> memref<1x100xi32, #tpu.memory_space<vmem>>
        %dma_start3A_152 = tpu.memref_squeeze %dma_start3A_151 : memref<1x100xi32, #tpu.memory_space<vmem>> -> memref<100xi32, #tpu.memory_space<vmem>>
        %dma_start3A_153 = arith.constant 0 : i32
        %dma_start3A_154 = arith.constant 0 : i32
        %dma_start3A_155 = tpu.memref_slice %arg12[%dma_start3A_153, %dma_start3A_154] : memref<10240x16xf32, #tpu.memory_space<vmem_shared>> -> memref<10240x16xf32, #tpu.memory_space<vmem_shared>>
        tpu.enqueue_indirect_dma source(%arg8 : memref<100x16xf32, #tpu.memory_space<vmem>>) target(%dma_start3A_155 : memref<10240x16xf32, #tpu.memory_space<vmem_shared>>) offsets(%dma_start3A_152 : memref<100xi32, #tpu.memory_space<vmem>>) semaphore(%run_scoped3A_149 : memref<!tpu.dma_semaphore, #tpu.memory_space<semaphore_mem>>) {add = true}
        %dma_wait3A_156 = arith.constant 0 : i32
        %dma_wait3A_157 = tpu.memref_slice %arg7[%add3A_80, %dma_wait3A_156] : memref<100x100xi32, #tpu.memory_space<vmem>> -> memref<1x100xi32, #tpu.memory_space<vmem>>
        %dma_wait3A_158 = tpu.memref_squeeze %dma_wait3A_157 : memref<1x100xi32, #tpu.memory_space<vmem>> -> memref<100xi32, #tpu.memory_space<vmem>>
        %dma_wait3A_159 = arith.constant 0 : i32
        %dma_wait3A_160 = arith.constant 0 : i32
        %dma_wait3A_161 = tpu.memref_slice %arg12[%dma_wait3A_159, %dma_wait3A_160] : memref<10240x16xf32, #tpu.memory_space<vmem_shared>> -> memref<10240x16xf32, #tpu.memory_space<vmem_shared>>
        tpu.wait_indirect_dma semaphore(%run_scoped3A_149 : memref<!tpu.dma_semaphore, #tpu.memory_space<semaphore_mem>>) src(%arg8 : memref<100x16xf32, #tpu.memory_space<vmem>>) dst(%dma_wait3A_161 : memref<10240x16xf32, #tpu.memory_space<vmem_shared>>)
        tpu.yield
      }) : () -> ()
      %add3A_87 = arith.constant 4 : i32
      %add3A_88 = arith.addi %add3A_80, %add3A_87 : i32
      %dma_start3A_89 = arith.constant 0 : i32
      %dma_start3A_90 = tpu.memref_slice %arg6[%add3A_88, %dma_start3A_89] : memref<100x100xi32, #tpu.memory_space<vmem>> -> memref<1x100xi32, #tpu.memory_space<vmem>>
      %dma_start3A_91 = tpu.memref_squeeze %dma_start3A_90 : memref<1x100xi32, #tpu.memory_space<vmem>> -> memref<100xi32, #tpu.memory_space<vmem>>
      %dma_start3A_92 = arith.constant 0 : i32
      %dma_start3A_93 = arith.constant 0 : i32
      %dma_start3A_94 = tpu.memref_slice %arg13[%dma_start3A_92, %dma_start3A_93] : memref<10000x16xf32, #tpu.memory_space<vmem_shared>> -> memref<10000x16xf32, #tpu.memory_space<vmem_shared>>
      tpu.enqueue_indirect_dma source(%dma_start3A_94 : memref<10000x16xf32, #tpu.memory_space<vmem_shared>>) target(%arg8 : memref<100x16xf32, #tpu.memory_space<vmem>>) offsets(%dma_start3A_91 : memref<100xi32, #tpu.memory_space<vmem>>) semaphore(%arg14 : memref<!tpu.dma_semaphore, #tpu.memory_space<semaphore_mem>>)
      %mul3A_95 = arith.constant 4 : i32
      %mul3A_96 = arith.muli %scan3A_76, %mul3A_95 : i32
      %add3A_97 = arith.constant 1 : i32
      %add3A_98 = arith.addi %mul3A_96, %add3A_97 : i32
      %dma_wait3A_99 = arith.constant 0 : i32
      %dma_wait3A_100 = tpu.memref_slice %arg6[%add3A_98, %dma_wait3A_99] : memref<100x100xi32, #tpu.memory_space<vmem>> -> memref<1x100xi32, #tpu.memory_space<vmem>>
      %dma_wait3A_101 = tpu.memref_squeeze %dma_wait3A_100 : memref<1x100xi32, #tpu.memory_space<vmem>> -> memref<100xi32, #tpu.memory_space<vmem>>
      %dma_wait3A_102 = arith.constant 0 : i32
      %dma_wait3A_103 = arith.constant 0 : i32
      %dma_wait3A_104 = tpu.memref_slice %arg13[%dma_wait3A_102, %dma_wait3A_103] : memref<10000x16xf32, #tpu.memory_space<vmem_shared>> -> memref<10000x16xf32, #tpu.memory_space<vmem_shared>>
      tpu.wait_indirect_dma semaphore(%arg15 : memref<!tpu.dma_semaphore, #tpu.memory_space<semaphore_mem>>) src(%dma_wait3A_104 : memref<10000x16xf32, #tpu.memory_space<vmem_shared>>) dst(%arg9 : memref<100x16xf32, #tpu.memory_space<vmem>>)
      "tpu.region"() ({
        %run_scoped3A_149 = tpu.sem_alloc : memref<!tpu.dma_semaphore, #tpu.memory_space<semaphore_mem>>
        %dma_start3A_150 = arith.constant 0 : i32
        %dma_start3A_151 = tpu.memref_slice %arg7[%add3A_98, %dma_start3A_150] : memref<100x100xi32, #tpu.memory_space<vmem>> -> memref<1x100xi32, #tpu.memory_space<vmem>>
        %dma_start3A_152 = tpu.memref_squeeze %dma_start3A_151 : memref<1x100xi32, #tpu.memory_space<vmem>> -> memref<100xi32, #tpu.memory_space<vmem>>
        %dma_start3A_153 = arith.constant 0 : i32
        %dma_start3A_154 = arith.constant 0 : i32
        %dma_start3A_155 = tpu.memref_slice %arg12[%dma_start3A_153, %dma_start3A_154] : memref<10240x16xf32, #tpu.memory_space<vmem_shared>> -> memref<10240x16xf32, #tpu.memory_space<vmem_shared>>
        tpu.enqueue_indirect_dma source(%arg9 : memref<100x16xf32, #tpu.memory_space<vmem>>) target(%dma_start3A_155 : memref<10240x16xf32, #tpu.memory_space<vmem_shared>>) offsets(%dma_start3A_152 : memref<100xi32, #tpu.memory_space<vmem>>) semaphore(%run_scoped3A_149 : memref<!tpu.dma_semaphore, #tpu.memory_space<semaphore_mem>>) {add = true}
        %dma_wait3A_156 = arith.constant 0 : i32
        %dma_wait3A_157 = tpu.memref_slice %arg7[%add3A_98, %dma_wait3A_156] : memref<100x100xi32, #tpu.memory_space<vmem>> -> memref<1x100xi32, #tpu.memory_space<vmem>>
        %dma_wait3A_158 = tpu.memref_squeeze %dma_wait3A_157 : memref<1x100xi32, #tpu.memory_space<vmem>> -> memref<100xi32, #tpu.memory_space<vmem>>
        %dma_wait3A_159 = arith.constant 0 : i32
        %dma_wait3A_160 = arith.constant 0 : i32
        %dma_wait3A_161 = tpu.memref_slice %arg12[%dma_wait3A_159, %dma_wait3A_160] : memref<10240x16xf32, #tpu.memory_space<vmem_shared>> -> memref<10240x16xf32, #tpu.memory_space<vmem_shared>>
        tpu.wait_indirect_dma semaphore(%run_scoped3A_149 : memref<!tpu.dma_semaphore, #tpu.memory_space<semaphore_mem>>) src(%arg9 : memref<100x16xf32, #tpu.memory_space<vmem>>) dst(%dma_wait3A_161 : memref<10240x16xf32, #tpu.memory_space<vmem_shared>>)
        tpu.yield
      }) : () -> ()
      %add3A_105 = arith.constant 4 : i32
      %add3A_106 = arith.addi %add3A_98, %add3A_105 : i32
      %dma_start3A_107 = arith.constant 0 : i32
      %dma_start3A_108 = tpu.memref_slice %arg6[%add3A_106, %dma_start3A_107] : memref<100x100xi32, #tpu.memory_space<vmem>> -> memref<1x100xi32, #tpu.memory_space<vmem>>
      %dma_start3A_109 = tpu.memref_squeeze %dma_start3A_108 : memref<1x100xi32, #tpu.memory_space<vmem>> -> memref<100xi32, #tpu.memory_space<vmem>>
      %dma_start3A_110 = arith.constant 0 : i32
      %dma_start3A_111 = arith.constant 0 : i32
      %dma_start3A_112 = tpu.memref_slice %arg13[%dma_start3A_110, %dma_start3A_111] : memref<10000x16xf32, #tpu.memory_space<vmem_shared>> -> memref<10000x16xf32, #tpu.memory_space<vmem_shared>>
      tpu.enqueue_indirect_dma source(%dma_start3A_112 : memref<10000x16xf32, #tpu.memory_space<vmem_shared>>) target(%arg9 : memref<100x16xf32, #tpu.memory_space<vmem>>) offsets(%dma_start3A_109 : memref<100xi32, #tpu.memory_space<vmem>>) semaphore(%arg15 : memref<!tpu.dma_semaphore, #tpu.memory_space<semaphore_mem>>)
      %mul3A_113 = arith.constant 4 : i32
      %mul3A_114 = arith.muli %scan3A_76, %mul3A_113 : i32
      %add3A_115 = arith.constant 2 : i32
      %add3A_116 = arith.addi %mul3A_114, %add3A_115 : i32
      %dma_wait3A_117 = arith.constant 0 : i32
      %dma_wait3A_118 = tpu.memref_slice %arg6[%add3A_116, %dma_wait3A_117] : memref<100x100xi32, #tpu.memory_space<vmem>> -> memref<1x100xi32, #tpu.memory_space<vmem>>
      %dma_wait3A_119 = tpu.memref_squeeze %dma_wait3A_118 : memref<1x100xi32, #tpu.memory_space<vmem>> -> memref<100xi32, #tpu.memory_space<vmem>>
      %dma_wait3A_120 = arith.constant 0 : i32
      %dma_wait3A_121 = arith.constant 0 : i32
      %dma_wait3A_122 = tpu.memref_slice %arg13[%dma_wait3A_120, %dma_wait3A_121] : memref<10000x16xf32, #tpu.memory_space<vmem_shared>> -> memref<10000x16xf32, #tpu.memory_space<vmem_shared>>
      tpu.wait_indirect_dma semaphore(%arg16 : memref<!tpu.dma_semaphore, #tpu.memory_space<semaphore_mem>>) src(%dma_wait3A_122 : memref<10000x16xf32, #tpu.memory_space<vmem_shared>>) dst(%arg10 : memref<100x16xf32, #tpu.memory_space<vmem>>)
      "tpu.region"() ({
        %run_scoped3A_149 = tpu.sem_alloc : memref<!tpu.dma_semaphore, #tpu.memory_space<semaphore_mem>>
        %dma_start3A_150 = arith.constant 0 : i32
        %dma_start3A_151 = tpu.memref_slice %arg7[%add3A_116, %dma_start3A_150] : memref<100x100xi32, #tpu.memory_space<vmem>> -> memref<1x100xi32, #tpu.memory_space<vmem>>
        %dma_start3A_152 = tpu.memref_squeeze %dma_start3A_151 : memref<1x100xi32, #tpu.memory_space<vmem>> -> memref<100xi32, #tpu.memory_space<vmem>>
        %dma_start3A_153 = arith.constant 0 : i32
        %dma_start3A_154 = arith.constant 0 : i32
        %dma_start3A_155 = tpu.memref_slice %arg12[%dma_start3A_153, %dma_start3A_154] : memref<10240x16xf32, #tpu.memory_space<vmem_shared>> -> memref<10240x16xf32, #tpu.memory_space<vmem_shared>>
        tpu.enqueue_indirect_dma source(%arg10 : memref<100x16xf32, #tpu.memory_space<vmem>>) target(%dma_start3A_155 : memref<10240x16xf32, #tpu.memory_space<vmem_shared>>) offsets(%dma_start3A_152 : memref<100xi32, #tpu.memory_space<vmem>>) semaphore(%run_scoped3A_149 : memref<!tpu.dma_semaphore, #tpu.memory_space<semaphore_mem>>) {add = true}
        %dma_wait3A_156 = arith.constant 0 : i32
        %dma_wait3A_157 = tpu.memref_slice %arg7[%add3A_116, %dma_wait3A_156] : memref<100x100xi32, #tpu.memory_space<vmem>> -> memref<1x100xi32, #tpu.memory_space<vmem>>
        %dma_wait3A_158 = tpu.memref_squeeze %dma_wait3A_157 : memref<1x100xi32, #tpu.memory_space<vmem>> -> memref<100xi32, #tpu.memory_space<vmem>>
        %dma_wait3A_159 = arith.constant 0 : i32
        %dma_wait3A_160 = arith.constant 0 : i32
        %dma_wait3A_161 = tpu.memref_slice %arg12[%dma_wait3A_159, %dma_wait3A_160] : memref<10240x16xf32, #tpu.memory_space<vmem_shared>> -> memref<10240x16xf32, #tpu.memory_space<vmem_shared>>
        tpu.wait_indirect_dma semaphore(%run_scoped3A_149 : memref<!tpu.dma_semaphore, #tpu.memory_space<semaphore_mem>>) src(%arg10 : memref<100x16xf32, #tpu.memory_space<vmem>>) dst(%dma_wait3A_161 : memref<10240x16xf32, #tpu.memory_space<vmem_shared>>)
        tpu.yield
      }) : () -> ()
      %add3A_123 = arith.constant 4 : i32
      %add3A_124 = arith.addi %add3A_116, %add3A_123 : i32
      %dma_start3A_125 = arith.constant 0 : i32
      %dma_start3A_126 = tpu.memref_slice %arg6[%add3A_124, %dma_start3A_125] : memref<100x100xi32, #tpu.memory_space<vmem>> -> memref<1x100xi32, #tpu.memory_space<vmem>>
      %dma_start3A_127 = tpu.memref_squeeze %dma_start3A_126 : memref<1x100xi32, #tpu.memory_space<vmem>> -> memref<100xi32, #tpu.memory_space<vmem>>
      %dma_start3A_128 = arith.constant 0 : i32
      %dma_start3A_129 = arith.constant 0 : i32
      %dma_start3A_130 = tpu.memref_slice %arg13[%dma_start3A_128, %dma_start3A_129] : memref<10000x16xf32, #tpu.memory_space<vmem_shared>> -> memref<10000x16xf32, #tpu.memory_space<vmem_shared>>
      tpu.enqueue_indirect_dma source(%dma_start3A_130 : memref<10000x16xf32, #tpu.memory_space<vmem_shared>>) target(%arg10 : memref<100x16xf32, #tpu.memory_space<vmem>>) offsets(%dma_start3A_127 : memref<100xi32, #tpu.memory_space<vmem>>) semaphore(%arg16 : memref<!tpu.dma_semaphore, #tpu.memory_space<semaphore_mem>>)
      %mul3A_131 = arith.constant 4 : i32
      %mul3A_132 = arith.muli %scan3A_76, %mul3A_131 : i32
      %add3A_133 = arith.constant 3 : i32
      %add3A_134 = arith.addi %mul3A_132, %add3A_133 : i32
      %dma_wait3A_135 = arith.constant 0 : i32
      %dma_wait3A_136 = tpu.memref_slice %arg6[%add3A_134, %dma_wait3A_135] : memref<100x100xi32, #tpu.memory_space<vmem>> -> memref<1x100xi32, #tpu.memory_space<vmem>>
      %dma_wait3A_137 = tpu.memref_squeeze %dma_wait3A_136 : memref<1x100xi32, #tpu.memory_space<vmem>> -> memref<100xi32, #tpu.memory_space<vmem>>
      %dma_wait3A_138 = arith.constant 0 : i32
      %dma_wait3A_139 = arith.constant 0 : i32
      %dma_wait3A_140 = tpu.memref_slice %arg13[%dma_wait3A_138, %dma_wait3A_139] : memref<10000x16xf32, #tpu.memory_space<vmem_shared>> -> memref<10000x16xf32, #tpu.memory_space<vmem_shared>>
      tpu.wait_indirect_dma semaphore(%arg17 : memref<!tpu.dma_semaphore, #tpu.memory_space<semaphore_mem>>) src(%dma_wait3A_140 : memref<10000x16xf32, #tpu.memory_space<vmem_shared>>) dst(%arg11 : memref<100x16xf32, #tpu.memory_space<vmem>>)
      "tpu.region"() ({
        %run_scoped3A_149 = tpu.sem_alloc : memref<!tpu.dma_semaphore, #tpu.memory_space<semaphore_mem>>
        %dma_start3A_150 = arith.constant 0 : i32
        %dma_start3A_151 = tpu.memref_slice %arg7[%add3A_134, %dma_start3A_150] : memref<100x100xi32, #tpu.memory_space<vmem>> -> memref<1x100xi32, #tpu.memory_space<vmem>>
        %dma_start3A_152 = tpu.memref_squeeze %dma_start3A_151 : memref<1x100xi32, #tpu.memory_space<vmem>> -> memref<100xi32, #tpu.memory_space<vmem>>
        %dma_start3A_153 = arith.constant 0 : i32
        %dma_start3A_154 = arith.constant 0 : i32
        %dma_start3A_155 = tpu.memref_slice %arg12[%dma_start3A_153, %dma_start3A_154] : memref<10240x16xf32, #tpu.memory_space<vmem_shared>> -> memref<10240x16xf32, #tpu.memory_space<vmem_shared>>
        tpu.enqueue_indirect_dma source(%arg11 : memref<100x16xf32, #tpu.memory_space<vmem>>) target(%dma_start3A_155 : memref<10240x16xf32, #tpu.memory_space<vmem_shared>>) offsets(%dma_start3A_152 : memref<100xi32, #tpu.memory_space<vmem>>) semaphore(%run_scoped3A_149 : memref<!tpu.dma_semaphore, #tpu.memory_space<semaphore_mem>>) {add = true}
        %dma_wait3A_156 = arith.constant 0 : i32
        %dma_wait3A_157 = tpu.memref_slice %arg7[%add3A_134, %dma_wait3A_156] : memref<100x100xi32, #tpu.memory_space<vmem>> -> memref<1x100xi32, #tpu.memory_space<vmem>>
        %dma_wait3A_158 = tpu.memref_squeeze %dma_wait3A_157 : memref<1x100xi32, #tpu.memory_space<vmem>> -> memref<100xi32, #tpu.memory_space<vmem>>
        %dma_wait3A_159 = arith.constant 0 : i32
        %dma_wait3A_160 = arith.constant 0 : i32
        %dma_wait3A_161 = tpu.memref_slice %arg12[%dma_wait3A_159, %dma_wait3A_160] : memref<10240x16xf32, #tpu.memory_space<vmem_shared>> -> memref<10240x16xf32, #tpu.memory_space<vmem_shared>>
        tpu.wait_indirect_dma semaphore(%run_scoped3A_149 : memref<!tpu.dma_semaphore, #tpu.memory_space<semaphore_mem>>) src(%arg11 : memref<100x16xf32, #tpu.memory_space<vmem>>) dst(%dma_wait3A_161 : memref<10240x16xf32, #tpu.memory_space<vmem_shared>>)
        tpu.yield
      }) : () -> ()
      %add3A_141 = arith.constant 4 : i32
      %add3A_142 = arith.addi %add3A_134, %add3A_141 : i32
      %dma_start3A_143 = arith.constant 0 : i32
      %dma_start3A_144 = tpu.memref_slice %arg6[%add3A_142, %dma_start3A_143] : memref<100x100xi32, #tpu.memory_space<vmem>> -> memref<1x100xi32, #tpu.memory_space<vmem>>
      %dma_start3A_145 = tpu.memref_squeeze %dma_start3A_144 : memref<1x100xi32, #tpu.memory_space<vmem>> -> memref<100xi32, #tpu.memory_space<vmem>>
      %dma_start3A_146 = arith.constant 0 : i32
      %dma_start3A_147 = arith.constant 0 : i32
      %dma_start3A_148 = tpu.memref_slice %arg13[%dma_start3A_146, %dma_start3A_147] : memref<10000x16xf32, #tpu.memory_space<vmem_shared>> -> memref<10000x16xf32, #tpu.memory_space<vmem_shared>>
      tpu.enqueue_indirect_dma source(%dma_start3A_148 : memref<10000x16xf32, #tpu.memory_space<vmem_shared>>) target(%arg11 : memref<100x16xf32, #tpu.memory_space<vmem>>) offsets(%dma_start3A_145 : memref<100xi32, #tpu.memory_space<vmem>>) semaphore(%arg17 : memref<!tpu.dma_semaphore, #tpu.memory_space<semaphore_mem>>)
    }
    %scan3A_39 = arith.constant 24 : i32
    %dma_wait3A = arith.constant 96 : i32
    %dma_wait3A_40 = arith.constant 0 : i32
    %dma_wait3A_41 = tpu.memref_slice %arg6[%dma_wait3A, %dma_wait3A_40] : memref<100x100xi32, #tpu.memory_space<vmem>> -> memref<1x100xi32, #tpu.memory_space<vmem>>
    %dma_wait3A_42 = tpu.memref_squeeze %dma_wait3A_41 : memref<1x100xi32, #tpu.memory_space<vmem>> -> memref<100xi32, #tpu.memory_space<vmem>>
    %dma_wait3A_43 = arith.constant 0 : i32
    %dma_wait3A_44 = arith.constant 0 : i32
    %dma_wait3A_45 = tpu.memref_slice %arg13[%dma_wait3A_43, %dma_wait3A_44] : memref<10000x16xf32, #tpu.memory_space<vmem_shared>> -> memref<10000x16xf32, #tpu.memory_space<vmem_shared>>
    tpu.wait_indirect_dma semaphore(%arg14 : memref<!tpu.dma_semaphore, #tpu.memory_space<semaphore_mem>>) src(%dma_wait3A_45 : memref<10000x16xf32, #tpu.memory_space<vmem_shared>>) dst(%arg8 : memref<100x16xf32, #tpu.memory_space<vmem>>)
    %run_scoped3A_46 = arith.constant 96 : i32
    "tpu.region"() ({
      %run_scoped3A_76 = tpu.sem_alloc : memref<!tpu.dma_semaphore, #tpu.memory_space<semaphore_mem>>
      %dma_start3A_77 = arith.constant 0 : i32
      %dma_start3A_78 = tpu.memref_slice %arg7[%run_scoped3A_46, %dma_start3A_77] : memref<100x100xi32, #tpu.memory_space<vmem>> -> memref<1x100xi32, #tpu.memory_space<vmem>>
      %dma_start3A_79 = tpu.memref_squeeze %dma_start3A_78 : memref<1x100xi32, #tpu.memory_space<vmem>> -> memref<100xi32, #tpu.memory_space<vmem>>
      %dma_start3A_80 = arith.constant 0 : i32
      %dma_start3A_81 = arith.constant 0 : i32
      %dma_start3A_82 = tpu.memref_slice %arg12[%dma_start3A_80, %dma_start3A_81] : memref<10240x16xf32, #tpu.memory_space<vmem_shared>> -> memref<10240x16xf32, #tpu.memory_space<vmem_shared>>
      tpu.enqueue_indirect_dma source(%arg8 : memref<100x16xf32, #tpu.memory_space<vmem>>) target(%dma_start3A_82 : memref<10240x16xf32, #tpu.memory_space<vmem_shared>>) offsets(%dma_start3A_79 : memref<100xi32, #tpu.memory_space<vmem>>) semaphore(%run_scoped3A_76 : memref<!tpu.dma_semaphore, #tpu.memory_space<semaphore_mem>>) {add = true}
      %dma_wait3A_83 = arith.constant 0 : i32
      %dma_wait3A_84 = tpu.memref_slice %arg7[%run_scoped3A_46, %dma_wait3A_83] : memref<100x100xi32, #tpu.memory_space<vmem>> -> memref<1x100xi32, #tpu.memory_space<vmem>>
      %dma_wait3A_85 = tpu.memref_squeeze %dma_wait3A_84 : memref<1x100xi32, #tpu.memory_space<vmem>> -> memref<100xi32, #tpu.memory_space<vmem>>
      %dma_wait3A_86 = arith.constant 0 : i32
      %dma_wait3A_87 = arith.constant 0 : i32
      %dma_wait3A_88 = tpu.memref_slice %arg12[%dma_wait3A_86, %dma_wait3A_87] : memref<10240x16xf32, #tpu.memory_space<vmem_shared>> -> memref<10240x16xf32, #tpu.memory_space<vmem_shared>>
      tpu.wait_indirect_dma semaphore(%run_scoped3A_76 : memref<!tpu.dma_semaphore, #tpu.memory_space<semaphore_mem>>) src(%arg8 : memref<100x16xf32, #tpu.memory_space<vmem>>) dst(%dma_wait3A_88 : memref<10240x16xf32, #tpu.memory_space<vmem_shared>>)
      tpu.yield
    }) : () -> ()
    %dma_wait3A_47 = arith.constant 97 : i32
    %dma_wait3A_48 = arith.constant 0 : i32
    %dma_wait3A_49 = tpu.memref_slice %arg6[%dma_wait3A_47, %dma_wait3A_48] : memref<100x100xi32, #tpu.memory_space<vmem>> -> memref<1x100xi32, #tpu.memory_space<vmem>>
    %dma_wait3A_50 = tpu.memref_squeeze %dma_wait3A_49 : memref<1x100xi32, #tpu.memory_space<vmem>> -> memref<100xi32, #tpu.memory_space<vmem>>
    %dma_wait3A_51 = arith.constant 0 : i32
    %dma_wait3A_52 = arith.constant 0 : i32
    %dma_wait3A_53 = tpu.memref_slice %arg13[%dma_wait3A_51, %dma_wait3A_52] : memref<10000x16xf32, #tpu.memory_space<vmem_shared>> -> memref<10000x16xf32, #tpu.memory_space<vmem_shared>>
    tpu.wait_indirect_dma semaphore(%arg15 : memref<!tpu.dma_semaphore, #tpu.memory_space<semaphore_mem>>) src(%dma_wait3A_53 : memref<10000x16xf32, #tpu.memory_space<vmem_shared>>) dst(%arg9 : memref<100x16xf32, #tpu.memory_space<vmem>>)
    %run_scoped3A_54 = arith.constant 97 : i32
    "tpu.region"() ({
      %run_scoped3A_76 = tpu.sem_alloc : memref<!tpu.dma_semaphore, #tpu.memory_space<semaphore_mem>>
      %dma_start3A_77 = arith.constant 0 : i32
      %dma_start3A_78 = tpu.memref_slice %arg7[%run_scoped3A_54, %dma_start3A_77] : memref<100x100xi32, #tpu.memory_space<vmem>> -> memref<1x100xi32, #tpu.memory_space<vmem>>
      %dma_start3A_79 = tpu.memref_squeeze %dma_start3A_78 : memref<1x100xi32, #tpu.memory_space<vmem>> -> memref<100xi32, #tpu.memory_space<vmem>>
      %dma_start3A_80 = arith.constant 0 : i32
      %dma_start3A_81 = arith.constant 0 : i32
      %dma_start3A_82 = tpu.memref_slice %arg12[%dma_start3A_80, %dma_start3A_81] : memref<10240x16xf32, #tpu.memory_space<vmem_shared>> -> memref<10240x16xf32, #tpu.memory_space<vmem_shared>>
      tpu.enqueue_indirect_dma source(%arg9 : memref<100x16xf32, #tpu.memory_space<vmem>>) target(%dma_start3A_82 : memref<10240x16xf32, #tpu.memory_space<vmem_shared>>) offsets(%dma_start3A_79 : memref<100xi32, #tpu.memory_space<vmem>>) semaphore(%run_scoped3A_76 : memref<!tpu.dma_semaphore, #tpu.memory_space<semaphore_mem>>) {add = true}
      %dma_wait3A_83 = arith.constant 0 : i32
      %dma_wait3A_84 = tpu.memref_slice %arg7[%run_scoped3A_54, %dma_wait3A_83] : memref<100x100xi32, #tpu.memory_space<vmem>> -> memref<1x100xi32, #tpu.memory_space<vmem>>
      %dma_wait3A_85 = tpu.memref_squeeze %dma_wait3A_84 : memref<1x100xi32, #tpu.memory_space<vmem>> -> memref<100xi32, #tpu.memory_space<vmem>>
      %dma_wait3A_86 = arith.constant 0 : i32
      %dma_wait3A_87 = arith.constant 0 : i32
      %dma_wait3A_88 = tpu.memref_slice %arg12[%dma_wait3A_86, %dma_wait3A_87] : memref<10240x16xf32, #tpu.memory_space<vmem_shared>> -> memref<10240x16xf32, #tpu.memory_space<vmem_shared>>
      tpu.wait_indirect_dma semaphore(%run_scoped3A_76 : memref<!tpu.dma_semaphore, #tpu.memory_space<semaphore_mem>>) src(%arg9 : memref<100x16xf32, #tpu.memory_space<vmem>>) dst(%dma_wait3A_88 : memref<10240x16xf32, #tpu.memory_space<vmem_shared>>)
      tpu.yield
    }) : () -> ()
    %dma_wait3A_55 = arith.constant 98 : i32
    %dma_wait3A_56 = arith.constant 0 : i32
    %dma_wait3A_57 = tpu.memref_slice %arg6[%dma_wait3A_55, %dma_wait3A_56] : memref<100x100xi32, #tpu.memory_space<vmem>> -> memref<1x100xi32, #tpu.memory_space<vmem>>
    %dma_wait3A_58 = tpu.memref_squeeze %dma_wait3A_57 : memref<1x100xi32, #tpu.memory_space<vmem>> -> memref<100xi32, #tpu.memory_space<vmem>>
    %dma_wait3A_59 = arith.constant 0 : i32
    %dma_wait3A_60 = arith.constant 0 : i32
    %dma_wait3A_61 = tpu.memref_slice %arg13[%dma_wait3A_59, %dma_wait3A_60] : memref<10000x16xf32, #tpu.memory_space<vmem_shared>> -> memref<10000x16xf32, #tpu.memory_space<vmem_shared>>
    tpu.wait_indirect_dma semaphore(%arg16 : memref<!tpu.dma_semaphore, #tpu.memory_space<semaphore_mem>>) src(%dma_wait3A_61 : memref<10000x16xf32, #tpu.memory_space<vmem_shared>>) dst(%arg10 : memref<100x16xf32, #tpu.memory_space<vmem>>)
    %run_scoped3A_62 = arith.constant 98 : i32
    "tpu.region"() ({
      %run_scoped3A_76 = tpu.sem_alloc : memref<!tpu.dma_semaphore, #tpu.memory_space<semaphore_mem>>
      %dma_start3A_77 = arith.constant 0 : i32
      %dma_start3A_78 = tpu.memref_slice %arg7[%run_scoped3A_62, %dma_start3A_77] : memref<100x100xi32, #tpu.memory_space<vmem>> -> memref<1x100xi32, #tpu.memory_space<vmem>>
      %dma_start3A_79 = tpu.memref_squeeze %dma_start3A_78 : memref<1x100xi32, #tpu.memory_space<vmem>> -> memref<100xi32, #tpu.memory_space<vmem>>
      %dma_start3A_80 = arith.constant 0 : i32
      %dma_start3A_81 = arith.constant 0 : i32
      %dma_start3A_82 = tpu.memref_slice %arg12[%dma_start3A_80, %dma_start3A_81] : memref<10240x16xf32, #tpu.memory_space<vmem_shared>> -> memref<10240x16xf32, #tpu.memory_space<vmem_shared>>
      tpu.enqueue_indirect_dma source(%arg10 : memref<100x16xf32, #tpu.memory_space<vmem>>) target(%dma_start3A_82 : memref<10240x16xf32, #tpu.memory_space<vmem_shared>>) offsets(%dma_start3A_79 : memref<100xi32, #tpu.memory_space<vmem>>) semaphore(%run_scoped3A_76 : memref<!tpu.dma_semaphore, #tpu.memory_space<semaphore_mem>>) {add = true}
      %dma_wait3A_83 = arith.constant 0 : i32
      %dma_wait3A_84 = tpu.memref_slice %arg7[%run_scoped3A_62, %dma_wait3A_83] : memref<100x100xi32, #tpu.memory_space<vmem>> -> memref<1x100xi32, #tpu.memory_space<vmem>>
      %dma_wait3A_85 = tpu.memref_squeeze %dma_wait3A_84 : memref<1x100xi32, #tpu.memory_space<vmem>> -> memref<100xi32, #tpu.memory_space<vmem>>
      %dma_wait3A_86 = arith.constant 0 : i32
      %dma_wait3A_87 = arith.constant 0 : i32
      %dma_wait3A_88 = tpu.memref_slice %arg12[%dma_wait3A_86, %dma_wait3A_87] : memref<10240x16xf32, #tpu.memory_space<vmem_shared>> -> memref<10240x16xf32, #tpu.memory_space<vmem_shared>>
      tpu.wait_indirect_dma semaphore(%run_scoped3A_76 : memref<!tpu.dma_semaphore, #tpu.memory_space<semaphore_mem>>) src(%arg10 : memref<100x16xf32, #tpu.memory_space<vmem>>) dst(%dma_wait3A_88 : memref<10240x16xf32, #tpu.memory_space<vmem_shared>>)
      tpu.yield
    }) : () -> ()
    %dma_wait3A_63 = arith.constant 99 : i32
    %dma_wait3A_64 = arith.constant 0 : i32
    %dma_wait3A_65 = tpu.memref_slice %arg6[%dma_wait3A_63, %dma_wait3A_64] : memref<100x100xi32, #tpu.memory_space<vmem>> -> memref<1x100xi32, #tpu.memory_space<vmem>>
    %dma_wait3A_66 = tpu.memref_squeeze %dma_wait3A_65 : memref<1x100xi32, #tpu.memory_space<vmem>> -> memref<100xi32, #tpu.memory_space<vmem>>
    %dma_wait3A_67 = arith.constant 0 : i32
    %dma_wait3A_68 = arith.constant 0 : i32
    %dma_wait3A_69 = tpu.memref_slice %arg13[%dma_wait3A_67, %dma_wait3A_68] : memref<10000x16xf32, #tpu.memory_space<vmem_shared>> -> memref<10000x16xf32, #tpu.memory_space<vmem_shared>>
    tpu.wait_indirect_dma semaphore(%arg17 : memref<!tpu.dma_semaphore, #tpu.memory_space<semaphore_mem>>) src(%dma_wait3A_69 : memref<10000x16xf32, #tpu.memory_space<vmem_shared>>) dst(%arg11 : memref<100x16xf32, #tpu.memory_space<vmem>>)
    %run_scoped3A_70 = arith.constant 99 : i32
    "tpu.region"() ({
      %run_scoped3A_76 = tpu.sem_alloc : memref<!tpu.dma_semaphore, #tpu.memory_space<semaphore_mem>>
      %dma_start3A_77 = arith.constant 0 : i32
      %dma_start3A_78 = tpu.memref_slice %arg7[%run_scoped3A_70, %dma_start3A_77] : memref<100x100xi32, #tpu.memory_space<vmem>> -> memref<1x100xi32, #tpu.memory_space<vmem>>
      %dma_start3A_79 = tpu.memref_squeeze %dma_start3A_78 : memref<1x100xi32, #tpu.memory_space<vmem>> -> memref<100xi32, #tpu.memory_space<vmem>>
      %dma_start3A_80 = arith.constant 0 : i32
      %dma_start3A_81 = arith.constant 0 : i32
      %dma_start3A_82 = tpu.memref_slice %arg12[%dma_start3A_80, %dma_start3A_81] : memref<10240x16xf32, #tpu.memory_space<vmem_shared>> -> memref<10240x16xf32, #tpu.memory_space<vmem_shared>>
      tpu.enqueue_indirect_dma source(%arg11 : memref<100x16xf32, #tpu.memory_space<vmem>>) target(%dma_start3A_82 : memref<10240x16xf32, #tpu.memory_space<vmem_shared>>) offsets(%dma_start3A_79 : memref<100xi32, #tpu.memory_space<vmem>>) semaphore(%run_scoped3A_76 : memref<!tpu.dma_semaphore, #tpu.memory_space<semaphore_mem>>) {add = true}
      %dma_wait3A_83 = arith.constant 0 : i32
      %dma_wait3A_84 = tpu.memref_slice %arg7[%run_scoped3A_70, %dma_wait3A_83] : memref<100x100xi32, #tpu.memory_space<vmem>> -> memref<1x100xi32, #tpu.memory_space<vmem>>
      %dma_wait3A_85 = tpu.memref_squeeze %dma_wait3A_84 : memref<1x100xi32, #tpu.memory_space<vmem>> -> memref<100xi32, #tpu.memory_space<vmem>>
      %dma_wait3A_86 = arith.constant 0 : i32
      %dma_wait3A_87 = arith.constant 0 : i32
      %dma_wait3A_88 = tpu.memref_slice %arg12[%dma_wait3A_86, %dma_wait3A_87] : memref<10240x16xf32, #tpu.memory_space<vmem_shared>> -> memref<10240x16xf32, #tpu.memory_space<vmem_shared>>
      tpu.wait_indirect_dma semaphore(%run_scoped3A_76 : memref<!tpu.dma_semaphore, #tpu.memory_space<semaphore_mem>>) src(%arg11 : memref<100x16xf32, #tpu.memory_space<vmem>>) dst(%dma_wait3A_88 : memref<10240x16xf32, #tpu.memory_space<vmem_shared>>)
      tpu.yield
    }) : () -> ()
    %barrier3A_71 = arith.constant 0 : index
    tpu.barrier barrier_id(%barrier3A_71)
    %mul3A_72 = arith.constant 640 : i32
    %mul3A_73 = arith.muli %arg1, %mul3A_72 : i32
    %mul3A_74 = arith.constant 640 : i32
    %mul3A_75 = arith.muli %arg1, %mul3A_74 : i32
    "tpu.region"() ({
      %run_scoped3A_76 = tpu.sem_alloc : memref<!tpu.dma_semaphore, #tpu.memory_space<semaphore_mem>>
      %dma_start3A_77 = arith.constant 0 : i32
      %dma_start3A_78 = tpu.memref_slice %arg5[%arg0, %mul3A_75, %dma_start3A_77] : memref<2x10240x16xf32, #tpu.memory_space<hbm>> -> memref<1x640x16xf32, #tpu.memory_space<hbm>>
      %dma_start3A_79 = tpu.memref_squeeze %dma_start3A_78 : memref<1x640x16xf32, #tpu.memory_space<hbm>> -> memref<640x16xf32, #tpu.memory_space<hbm>>
      %dma_start3A_80 = arith.constant 0 : i32
      %dma_start3A_81 = tpu.memref_slice %arg12[%mul3A_73, %dma_start3A_80] : memref<10240x16xf32, #tpu.memory_space<vmem_shared>> -> memref<640x16xf32, #tpu.memory_space<vmem_shared>>
      tpu.enqueue_dma source(%dma_start3A_81 : memref<640x16xf32, #tpu.memory_space<vmem_shared>>) target(%dma_start3A_79 : memref<640x16xf32, #tpu.memory_space<hbm>>) target_semaphore(%run_scoped3A_76 : memref<!tpu.dma_semaphore, #tpu.memory_space<semaphore_mem>>)
      %dma_wait3A_82 = arith.constant 0 : i32
      %dma_wait3A_83 = tpu.memref_slice %arg5[%arg0, %mul3A_75, %dma_wait3A_82] : memref<2x10240x16xf32, #tpu.memory_space<hbm>> -> memref<1x640x16xf32, #tpu.memory_space<hbm>>
      %dma_wait3A_84 = tpu.memref_squeeze %dma_wait3A_83 : memref<1x640x16xf32, #tpu.memory_space<hbm>> -> memref<640x16xf32, #tpu.memory_space<hbm>>
      %dma_wait3A_85 = arith.constant 0 : i32
      %dma_wait3A_86 = tpu.memref_slice %arg12[%mul3A_73, %dma_wait3A_85] : memref<10240x16xf32, #tpu.memory_space<vmem_shared>> -> memref<640x16xf32, #tpu.memory_space<vmem_shared>>
      tpu.wait_dma2 semaphore(%run_scoped3A_76 : memref<!tpu.dma_semaphore, #tpu.memory_space<semaphore_mem>>) src(%dma_wait3A_86 : memref<640x16xf32, #tpu.memory_space<vmem_shared>>) dst(%dma_wait3A_84 : memref<640x16xf32, #tpu.memory_space<hbm>>)
      tpu.yield
    }) : () -> ()
    return
  }
}

module attributes {stable_mosaic.version = 14 : i64} {
  func.func @_tc_a_body(%arg0: i32, %arg1: memref<2000x128xf32, #tpu.memory_space<vmem>>, %arg2: memref<128x128xf32, #tpu.memory_space<vmem>>, %arg3: memref<2x2000x16xf32, #tpu.memory_space<vmem>>, %arg4: memref<2000x128xf32, #tpu.memory_space<vmem>>) attributes {dimension_semantics = [#tpu.dimension_semantics<arbitrary>], iteration_bounds = array<i64: 5>, scalar_prefetch = 0 : i64, scratch_operands = 0 : i64, tpu.core_type = #tpu.core_type<tc>, window_params = [{transform_indices = @transform_0, window_bounds = array<i64: 2000, 128>}, {pipeline_mode = #tpu.pipeline_mode<synchronous>, transform_indices = @transform_1, window_bounds = array<i64: 128, 128>}, {transform_indices = @transform_2, window_bounds = array<i64: 2, 2000, 16>}, {transform_indices = @transform_3, window_bounds = array<i64: 2000, 128>}]} {
    %get3A = arith.constant 0 : index
    %get3A_0 = arith.constant 0 : index
    %get3A_1 = arith.constant 0 : index
    %get3A_2 = vector.load %arg3[%get3A, %get3A_0, %get3A_1] : memref<2x2000x16xf32, #tpu.memory_space<vmem>>, vector<2x2000x16xf32>
    %slice3A = vector.extract_strided_slice %get3A_2 {offsets = [0, 0, 0], sizes = [1, 2000, 1], strides = [1, 1, 1]} : vector<2x2000x16xf32> to vector<1x2000x1xf32>
    %squeeze3A = vector.shape_cast %slice3A : vector<1x2000x1xf32> to vector<2000x1xf32>
    %slice3A_3 = vector.extract_strided_slice %get3A_2 {offsets = [1, 0, 0], sizes = [1, 2000, 1], strides = [1, 1, 1]} : vector<2x2000x16xf32> to vector<1x2000x1xf32>
    %squeeze3A_4 = vector.shape_cast %slice3A_3 : vector<1x2000x1xf32> to vector<2000x1xf32>
    %add3A = arith.addf %squeeze3A, %squeeze3A_4 : vector<2000x1xf32>
    %add3A_5 = arith.constant 1.000000e+00 : f32
    %add3A_6 = vector.broadcast %add3A_5 : f32 to vector<2000x1xf32>
    %add3A_7 = arith.addf %add3A, %add3A_6 : vector<2000x1xf32>
    %rsqrt3A = math.rsqrt %add3A_7 : vector<2000x1xf32>
    %get3A_8 = arith.constant 0 : index
    %get3A_9 = arith.constant 0 : index
    %get3A_10 = vector.load %arg1[%get3A_8, %get3A_9] : memref<2000x128xf32, #tpu.memory_space<vmem>>, vector<2000x128xf32>
    %get3A_11 = arith.constant 0 : index
    %get3A_12 = arith.constant 0 : index
    %get3A_13 = vector.load %arg2[%get3A_11, %get3A_12] : memref<128x128xf32, #tpu.memory_space<vmem>>, vector<128x128xf32>
    %dot_general3A = arith.constant dense<0.000000e+00> : vector<2000x128xf32>
    %dot_general3A_14 = tpu.matmul %get3A_10, %get3A_13, %dot_general3A {dimension_numbers = #tpu.dot_dimension_numbers<[1], [0], [0], [1], [0, 0, 1, 1], [], []>, transpose_lhs_hint = false} : vector<2000x128xf32>, vector<128x128xf32>, vector<2000x128xf32> -> vector<2000x128xf32>
    %mul3A = vector.broadcast %rsqrt3A : vector<2000x1xf32> to vector<2000x128xf32>
    %mul3A_15 = arith.mulf %dot_general3A_14, %mul3A : vector<2000x128xf32>
    %swap3A = arith.constant 0 : index
    %swap3A_16 = arith.constant 0 : index
    %swap3A_17 = vector.load %arg4[%swap3A, %swap3A_16] : memref<2000x128xf32, #tpu.memory_space<vmem>>, vector<2000x128xf32>
    tpu.vector_store %arg4[%swap3A, %swap3A_16], %mul3A_15 {strides = array<i32>} : memref<2000x128xf32, #tpu.memory_space<vmem>>, vector<2000x128xf32>,
    return
  }
  func.func @transform_0(%arg0: i32) -> (i32, i32) {
    %c0_i32 = arith.constant 0 : i32
    %c0_i32_0 = arith.constant 0 : i32
    return %arg0, %c0_i32 : i32, i32
  }
  func.func @transform_1(%arg0: i32) -> (i32, i32) {
    %c0_i32 = arith.constant 0 : i32
    %c0_i32_0 = arith.constant 0 : i32
    %c0_i32_1 = arith.constant 0 : i32
    return %c0_i32, %c0_i32_0 : i32, i32
  }
  func.func @transform_2(%arg0: i32) -> (i32, i32, i32) {
    %c0_i32 = arith.constant 0 : i32
    %c0_i32_0 = arith.constant 0 : i32
    %c0_i32_1 = arith.constant 0 : i32
    return %c0_i32, %arg0, %c0_i32_0 : i32, i32, i32
  }
  func.func @transform_3(%arg0: i32) -> (i32, i32) {
    %c0_i32 = arith.constant 0 : i32
    %c0_i32_0 = arith.constant 0 : i32
    return %arg0, %c0_i32 : i32, i32
  }
}

module attributes {stable_mosaic.version = 14 : i64} {
  func.func @_tc_b_body(%arg0: i32, %arg1: memref<2x2000x128xf32, #tpu.memory_space<vmem>>, %arg2: memref<2000x128xf32, #tpu.memory_space<vmem>>, %arg3: memref<2x2000x16xf32, #tpu.memory_space<vmem>>, %arg4: memref<1x128xf32, #tpu.memory_space<vmem>>, %arg5: memref<128x16xf32, #tpu.memory_space<vmem>>, %arg6: memref<2000x16xf32, #tpu.memory_space<vmem>>) attributes {dimension_semantics = [#tpu.dimension_semantics<arbitrary>], iteration_bounds = array<i64: 5>, scalar_prefetch = 0 : i64, scratch_operands = 0 : i64, tpu.core_type = #tpu.core_type<tc>, window_params = [{transform_indices = @transform_0, window_bounds = array<i64: 2, 2000, 128>}, {transform_indices = @transform_1, window_bounds = array<i64: 2000, 128>}, {transform_indices = @transform_2, window_bounds = array<i64: 2, 2000, 16>}, {pipeline_mode = #tpu.pipeline_mode<synchronous>, transform_indices = @transform_3, window_bounds = array<i64: 1, 128>}, {pipeline_mode = #tpu.pipeline_mode<synchronous>, transform_indices = @transform_4, window_bounds = array<i64: 128, 16>}, {transform_indices = @transform_5, window_bounds = array<i64: 2000, 16>}]} {
    %get3A = arith.constant 0 : index
    %get3A_0 = arith.constant 0 : index
    %get3A_1 = arith.constant 0 : index
    %get3A_2 = vector.load %arg3[%get3A, %get3A_0, %get3A_1] : memref<2x2000x16xf32, #tpu.memory_space<vmem>>, vector<2x2000x16xf32>
    %slice3A = vector.extract_strided_slice %get3A_2 {offsets = [0, 0, 0], sizes = [1, 2000, 1], strides = [1, 1, 1]} : vector<2x2000x16xf32> to vector<1x2000x1xf32>
    %squeeze3A = vector.shape_cast %slice3A : vector<1x2000x1xf32> to vector<2000x1xf32>
    %slice3A_3 = vector.extract_strided_slice %get3A_2 {offsets = [1, 0, 0], sizes = [1, 2000, 1], strides = [1, 1, 1]} : vector<2x2000x16xf32> to vector<1x2000x1xf32>
    %squeeze3A_4 = vector.shape_cast %slice3A_3 : vector<1x2000x1xf32> to vector<2000x1xf32>
    %add3A = arith.addf %squeeze3A, %squeeze3A_4 : vector<2000x1xf32>
    %add3A_5 = arith.constant 1.000000e+00 : f32
    %add3A_6 = vector.broadcast %add3A_5 : f32 to vector<2000x1xf32>
    %add3A_7 = arith.addf %add3A, %add3A_6 : vector<2000x1xf32>
    %rsqrt3A = math.rsqrt %add3A_7 : vector<2000x1xf32>
    %get3A_8 = arith.constant 0 : index
    %get3A_9 = arith.constant 0 : index
    %get3A_10 = arith.constant 0 : index
    %get3A_11 = vector.load %arg1[%get3A_8, %get3A_9, %get3A_10] : memref<2x2000x128xf32, #tpu.memory_space<vmem>>, vector<1x2000x128xf32>
    %get3A_12 = vector.shape_cast %get3A_11 : vector<1x2000x128xf32> to vector<2000x128xf32>
    %get3A_13 = arith.constant 1 : index
    %get3A_14 = arith.constant 0 : index
    %get3A_15 = arith.constant 0 : index
    %get3A_16 = vector.load %arg1[%get3A_13, %get3A_14, %get3A_15] : memref<2x2000x128xf32, #tpu.memory_space<vmem>>, vector<1x2000x128xf32>
    %get3A_17 = vector.shape_cast %get3A_16 : vector<1x2000x128xf32> to vector<2000x128xf32>
    %add3A_18 = arith.addf %get3A_12, %get3A_17 : vector<2000x128xf32>
    %get3A_19 = arith.constant 0 : index
    %get3A_20 = arith.constant 0 : index
    %get3A_21 = vector.load %arg2[%get3A_19, %get3A_20] : memref<2000x128xf32, #tpu.memory_space<vmem>>, vector<2000x128xf32>
    %add3A_22 = arith.addf %add3A_18, %get3A_21 : vector<2000x128xf32>
    %mul3A = vector.broadcast %rsqrt3A : vector<2000x1xf32> to vector<2000x128xf32>
    %mul3A_23 = arith.mulf %mul3A, %add3A_22 : vector<2000x128xf32>
    %get3A_24 = arith.constant 0 : index
    %get3A_25 = arith.constant 0 : index
    %get3A_26 = vector.load %arg4[%get3A_24, %get3A_25] : memref<1x128xf32, #tpu.memory_space<vmem>>, vector<1x128xf32>
    %add3A_27 = vector.broadcast %get3A_26 : vector<1x128xf32> to vector<2000x128xf32>
    %add3A_28 = arith.addf %mul3A_23, %add3A_27 : vector<2000x128xf32>
    %max3A = arith.constant 0.000000e+00 : f32
    %max3A_29 = vector.broadcast %max3A : f32 to vector<2000x128xf32>
    %max3A_30 = arith.maximumf %add3A_28, %max3A_29 : vector<2000x128xf32>
    %get3A_31 = arith.constant 0 : index
    %get3A_32 = arith.constant 0 : index
    %get3A_33 = vector.load %arg5[%get3A_31, %get3A_32] : memref<128x16xf32, #tpu.memory_space<vmem>>, vector<128x16xf32>
    %dot_general3A = arith.constant dense<0.000000e+00> : vector<2000x16xf32>
    %dot_general3A_34 = tpu.matmul %max3A_30, %get3A_33, %dot_general3A {dimension_numbers = #tpu.dot_dimension_numbers<[1], [0], [0], [1], [0, 0, 1, 1], [], []>, transpose_lhs_hint = false} : vector<2000x128xf32>, vector<128x16xf32>, vector<2000x16xf32> -> vector<2000x16xf32>
    %mul3A_35 = vector.broadcast %rsqrt3A : vector<2000x1xf32> to vector<2000x16xf32>
    %mul3A_36 = arith.mulf %dot_general3A_34, %mul3A_35 : vector<2000x16xf32>
    %swap3A = arith.constant 0 : index
    %swap3A_37 = arith.constant 0 : index
    %swap3A_38 = vector.load %arg6[%swap3A, %swap3A_37] : memref<2000x16xf32, #tpu.memory_space<vmem>>, vector<2000x16xf32>
    tpu.vector_store %arg6[%swap3A, %swap3A_37], %mul3A_36 {strides = array<i32>} : memref<2000x16xf32, #tpu.memory_space<vmem>>, vector<2000x16xf32>,
    return
  }
  func.func @transform_0(%arg0: i32) -> (i32, i32, i32) {
    %c0_i32 = arith.constant 0 : i32
    %c0_i32_0 = arith.constant 0 : i32
    %c0_i32_1 = arith.constant 0 : i32
    return %c0_i32, %arg0, %c0_i32_0 : i32, i32, i32
  }
  func.func @transform_1(%arg0: i32) -> (i32, i32) {
    %c0_i32 = arith.constant 0 : i32
    %c0_i32_0 = arith.constant 0 : i32
    return %arg0, %c0_i32 : i32, i32
  }
  func.func @transform_2(%arg0: i32) -> (i32, i32, i32) {
    %c0_i32 = arith.constant 0 : i32
    %c0_i32_0 = arith.constant 0 : i32
    %c0_i32_1 = arith.constant 0 : i32
    return %c0_i32, %arg0, %c0_i32_0 : i32, i32, i32
  }
  func.func @transform_3(%arg0: i32) -> (i32, i32) {
    %c0_i32 = arith.constant 0 : i32
    %c0_i32_0 = arith.constant 0 : i32
    %c0_i32_1 = arith.constant 0 : i32
    return %c0_i32, %c0_i32_0 : i32, i32
  }
  func.func @transform_4(%arg0: i32) -> (i32, i32) {
    %c0_i32 = arith.constant 0 : i32
    %c0_i32_0 = arith.constant 0 : i32
    %c0_i32_1 = arith.constant 0 : i32
    return %c0_i32, %c0_i32_0 : i32, i32
  }
  func.func @transform_5(%arg0: i32) -> (i32, i32) {
    %c0_i32 = arith.constant 0 : i32
    %c0_i32_0 = arith.constant 0 : i32
    return %arg0, %c0_i32 : i32, i32
  }
}

module attributes {stable_mosaic.version = 14 : i64} {
  func.func @_tc_c_body(%arg0: i32, %arg1: memref<2x2000x16xf32, #tpu.memory_space<vmem>>, %arg2: memref<2000x16xf32, #tpu.memory_space<vmem>>, %arg3: memref<2x2000x16xf32, #tpu.memory_space<vmem>>, %arg4: memref<1x16xf32, #tpu.memory_space<vmem>>, %arg5: memref<2000x16xf32, #tpu.memory_space<vmem>>) attributes {dimension_semantics = [#tpu.dimension_semantics<arbitrary>], iteration_bounds = array<i64: 5>, scalar_prefetch = 0 : i64, scratch_operands = 0 : i64, tpu.core_type = #tpu.core_type<tc>, window_params = [{transform_indices = @transform_0, window_bounds = array<i64: 2, 2000, 16>}, {transform_indices = @transform_1, window_bounds = array<i64: 2000, 16>}, {transform_indices = @transform_2, window_bounds = array<i64: 2, 2000, 16>}, {pipeline_mode = #tpu.pipeline_mode<synchronous>, transform_indices = @transform_3, window_bounds = array<i64: 1, 16>}, {transform_indices = @transform_4, window_bounds = array<i64: 2000, 16>}]} {
    %get3A = arith.constant 0 : index
    %get3A_0 = arith.constant 0 : index
    %get3A_1 = arith.constant 0 : index
    %get3A_2 = vector.load %arg3[%get3A, %get3A_0, %get3A_1] : memref<2x2000x16xf32, #tpu.memory_space<vmem>>, vector<2x2000x16xf32>
    %slice3A = vector.extract_strided_slice %get3A_2 {offsets = [0, 0, 0], sizes = [1, 2000, 1], strides = [1, 1, 1]} : vector<2x2000x16xf32> to vector<1x2000x1xf32>
    %squeeze3A = vector.shape_cast %slice3A : vector<1x2000x1xf32> to vector<2000x1xf32>
    %slice3A_3 = vector.extract_strided_slice %get3A_2 {offsets = [1, 0, 0], sizes = [1, 2000, 1], strides = [1, 1, 1]} : vector<2x2000x16xf32> to vector<1x2000x1xf32>
    %squeeze3A_4 = vector.shape_cast %slice3A_3 : vector<1x2000x1xf32> to vector<2000x1xf32>
    %add3A = arith.addf %squeeze3A, %squeeze3A_4 : vector<2000x1xf32>
    %add3A_5 = arith.constant 1.000000e+00 : f32
    %add3A_6 = vector.broadcast %add3A_5 : f32 to vector<2000x1xf32>
    %add3A_7 = arith.addf %add3A, %add3A_6 : vector<2000x1xf32>
    %rsqrt3A = math.rsqrt %add3A_7 : vector<2000x1xf32>
    %get3A_8 = arith.constant 0 : index
    %get3A_9 = arith.constant 0 : index
    %get3A_10 = arith.constant 0 : index
    %get3A_11 = vector.load %arg1[%get3A_8, %get3A_9, %get3A_10] : memref<2x2000x16xf32, #tpu.memory_space<vmem>>, vector<1x2000x16xf32>
    %get3A_12 = vector.shape_cast %get3A_11 : vector<1x2000x16xf32> to vector<2000x16xf32>
    %get3A_13 = arith.constant 1 : index
    %get3A_14 = arith.constant 0 : index
    %get3A_15 = arith.constant 0 : index
    %get3A_16 = vector.load %arg1[%get3A_13, %get3A_14, %get3A_15] : memref<2x2000x16xf32, #tpu.memory_space<vmem>>, vector<1x2000x16xf32>
    %get3A_17 = vector.shape_cast %get3A_16 : vector<1x2000x16xf32> to vector<2000x16xf32>
    %add3A_18 = arith.addf %get3A_12, %get3A_17 : vector<2000x16xf32>
    %get3A_19 = arith.constant 0 : index
    %get3A_20 = arith.constant 0 : index
    %get3A_21 = vector.load %arg2[%get3A_19, %get3A_20] : memref<2000x16xf32, #tpu.memory_space<vmem>>, vector<2000x16xf32>
    %add3A_22 = arith.addf %add3A_18, %get3A_21 : vector<2000x16xf32>
    %mul3A = vector.broadcast %rsqrt3A : vector<2000x1xf32> to vector<2000x16xf32>
    %mul3A_23 = arith.mulf %mul3A, %add3A_22 : vector<2000x16xf32>
    %get3A_24 = arith.constant 0 : index
    %get3A_25 = arith.constant 0 : index
    %get3A_26 = vector.load %arg4[%get3A_24, %get3A_25] : memref<1x16xf32, #tpu.memory_space<vmem>>, vector<1x16xf32>
    %add3A_27 = vector.broadcast %get3A_26 : vector<1x16xf32> to vector<2000x16xf32>
    %add3A_28 = arith.addf %mul3A_23, %add3A_27 : vector<2000x16xf32>
    %neg3A = arith.constant 0.000000e+00 : f32
    %neg3A_29 = vector.broadcast %neg3A : f32 to vector<2000x16xf32>
    %neg3A_30 = arith.subf %neg3A_29, %add3A_28 : vector<2000x16xf32>
    %exp3A = math.exp %neg3A_30 : vector<2000x16xf32>
    %add3A_31 = arith.constant 1.000000e+00 : f32
    %add3A_32 = vector.broadcast %add3A_31 : f32 to vector<2000x16xf32>
    %add3A_33 = arith.addf %add3A_32, %exp3A : vector<2000x16xf32>
    %div3A = arith.constant 1.000000e+00 : f32
    %div3A_34 = vector.broadcast %div3A : f32 to vector<2000x16xf32>
    %div3A_35 = arith.divf %div3A_34, %add3A_33 : vector<2000x16xf32>
    %swap3A = arith.constant 0 : index
    %swap3A_36 = arith.constant 0 : index
    %swap3A_37 = vector.load %arg5[%swap3A, %swap3A_36] : memref<2000x16xf32, #tpu.memory_space<vmem>>, vector<2000x16xf32>
    tpu.vector_store %arg5[%swap3A, %swap3A_36], %div3A_35 {strides = array<i32>} : memref<2000x16xf32, #tpu.memory_space<vmem>>, vector<2000x16xf32>,
    return
  }
  func.func @transform_0(%arg0: i32) -> (i32, i32, i32) {
    %c0_i32 = arith.constant 0 : i32
    %c0_i32_0 = arith.constant 0 : i32
    %c0_i32_1 = arith.constant 0 : i32
    return %c0_i32, %arg0, %c0_i32_0 : i32, i32, i32
  }
  func.func @transform_1(%arg0: i32) -> (i32, i32) {
    %c0_i32 = arith.constant 0 : i32
    %c0_i32_0 = arith.constant 0 : i32
    return %arg0, %c0_i32 : i32, i32
  }
  func.func @transform_2(%arg0: i32) -> (i32, i32, i32) {
    %c0_i32 = arith.constant 0 : i32
    %c0_i32_0 = arith.constant 0 : i32
    %c0_i32_1 = arith.constant 0 : i32
    return %c0_i32, %arg0, %c0_i32_0 : i32, i32, i32
  }
  func.func @transform_3(%arg0: i32) -> (i32, i32) {
    %c0_i32 = arith.constant 0 : i32
    %c0_i32_0 = arith.constant 0 : i32
    %c0_i32_1 = arith.constant 0 : i32
    return %c0_i32, %c0_i32_0 : i32, i32
  }
  func.func @transform_4(%arg0: i32) -> (i32, i32) {
    %c0_i32 = arith.constant 0 : i32
    %c0_i32_0 = arith.constant 0 : i32
    return %arg0, %c0_i32 : i32, i32
  }
}

</mosaic_0001>

<sc_bundles>
// kernel: kernel.11.cloned.1.call-start
scs
__scs_entry_jumppad:
0x0: {  	(pc) =	sbr.rel $0x88, $3  }
0x1: {  	(tag) =	ssettag $0x0;
	lr =	simm.s32 $0x1  }
0x2: {  	[smem:$0x3F9B] =	sst lr;
	_ =	strace $0xD0000000  }
0x3: {  	_ = 	snop  }
0x4: {  	_ = 	snop  }
0x5: {  	_ = 	snop  }
0x6: {  	_ = 	snop  }
0x7: {  	_ = 	snop  }
__scs_overlays_trampoline_lowered:
0x8: {  	[smem:$0x3FAA] =	sst s0  }
0x9: {  	[smem:$0x3FAB] =	sst s1  }
0xa: {  	[smem:$0x3FAC] =	sst s2  }
0xb: {  	[smem:$0x3FAD] =	sst s3  }
0xc: {  	[smem:$0x3FAE] =	sst s4  }
0xd: {  	[smem:$0x3FAF] =	sst s5  }
0xe: {  	[smem:$0x3FB0] =	sst s6  }
0xf: {  	[smem:$0x3FB1] =	sst s7  }
0x10: {  	[smem:$0x3FB2] =	sst s8  }
0x11: {  	[smem:$0x3FB3] =	sst s9;
	s0 =	simm.s32 @!p0 $0x0  }
0x12: {  	s1 =	sld [smem:$0x3F99];
	s0 =	simm.s32 @p0 $0x1  }
0x13: {  	[smem:$0x3FB4] =	sst s0;
	s0 =	simm.s32 @!p1 $0x0  }
0x14: {  	s2 =	sld [smem:$0x3F98];
	s0 =	simm.s32 @p1 $0x1  }
0x15: {  	[smem:$0x3FB5] =	sst s0;
	s0 =	simm.s32 @!p2 $0x0  }
0x16: {  	s3 =	sld [smem:$0x3FDB];
	s0 =	simm.s32 @p2 $0x1  }
0x17: {  	s4 =	simm.s32 $0x1BF5;
	[smem:$0x3FB7] =	sst s0  }
0x18: {  	s0 =	sld [smem:$0x3F9A];
	_ =	swait.ge [sflag:s4], $0x0  }
0x19: {  	s7 =	sld [smem:$0x3F9B]  }
0x1a: {  	s8 =	sadd.s32 $0xFFFFE003, lr  }
0x1b: {  	s9 =	sadd.s32 $0xFFFFFEF7, lr;
	s5 =	simm.s32 $0xFFFFFFFF;
	p2 =	slt.u32 s8, $0xFFFFF086  }
0x1c: {  	p1 =	slt.u32 s9, $0xF7A;
	s5 =	simm.s32 @!p2 $0x0  }
0x1d: {  	s5 =	simm.s32 @p1 $0x1;
	p0 =	seq.s32 s7, s2  }
0x1e: {  	s7 =	smul.u32 @!p0 $0xF7A, s2;
	p2 =	seq.s32 @!p0 s5, $0x0  }
0x1f: {  	s9 =	smul.u32 $0xF7A, s1;
	s8 =	simm.s32 @!p0 $0x1BF5;
	p2 =	por !p2, p0  }
0x20: {  	[sflag:s8] =	ssyncset.s32 @!p0 $0xFFFFF086;
	s6 =	sadd.s32 @!p0 s3, s7;
	s7 =	simm.s32 @!p0 $0x108  }
0x21: {  	s3 =	sadd.s32 s3, s9;
	s6 =	sadd.s32 @!p0 $0x88, s6;
	s7 =	simm.s32 @p2 $0x1082  }
0x22: {  	[simem:s7], [sflag:s8] =	dma.local @!p0 [hbm:s6], $0xF7A  }
0x23: {  	s9 =	sor.u32 $0xD0000000, s2;
	s6 =	simm.s32 $0x108;
	_ =	swait.ge @!p0 [sflag:s8], $0x0  }
0x24: {  	s3 =	sadd.s32 $0x88, s3;
	s6 =	simm.s32 @!p1 $0x1082;
	[sflag:s4] =	ssyncset.s32 $0xFFFFF086  }
0x25: {  	[simem:s6], [sflag:s4] =	dma.local [hbm:s3], $0xF7A  }
0x26: {  	[smem:$0x3F9B] =	sst s1;
	(tag) =	ssettag s2;
	_ =	strace s9  }
0x27: {  	s1 =	sld [smem:$0x3FAB]  }
0x28: {  	s2 =	sld [smem:$0x3FAC]  }
0x29: {  	s4 =	sld [smem:$0x3FAE]  }
0x2a: {  	p0 =	seq.s32 s5, $0x0;
	s5 =	sld [smem:$0x3FAF]  }
0x2b: {  	s6 =	sld [smem:$0x3FB0]  }
0x2c: {  	s7 =	sld [smem:$0x3FB1]  }
0x2d: {  	s3 =	simm.s32 $0x108;
	s8 =	sld [smem:$0x3FB2]  }
0x2e: {  	s3 =	simm.s32 @!p0 $0x1082;
	s9 =	sld [smem:$0x3FB3]  }
0x2f: {  	lr =	sadd.s32 s0, s3;
	s0 =	sld [smem:$0x3FAA]  }
0x30: {  	s3 =	sld [smem:$0x3FAD]  }
0x31: {  	[smem:$0x3FB6] =	sst s10  }
0x32: {  	s10 =	sld [smem:$0x3FB4];
	_ =	sdelay $0x3  }
0x33: {  	p0 =	seq.s32 s10, $0x1;
	s10 =	sld [smem:$0x3FB6];
	_ =	sdelay $0x3  }
0x34: {  	[smem:$0x3FB6] =	sst s10  }
0x35: {  	s10 =	sld [smem:$0x3FB5];
	_ =	sdelay $0x3  }
0x36: {  	p1 =	seq.s32 s10, $0x1;
	s10 =	sld [smem:$0x3FB6];
	_ =	sdelay $0x3  }
0x37: {  	[smem:$0x3FB6] =	sst s10  }
0x38: {  	s10 =	sld [smem:$0x3FB7]  }
0x39: {  	_ = 	snop;
	(pc) =	sbr.ind lr, $3  }
0x3a: {  	_ = 	snop  }
0x3b: {  	_ = 	snop  }
0x3c: {  	p2 =	seq.s32 s10, $0x1;
	s10 =	sld [smem:$0x3FB6]  }
0x3d: {  	_ =	shalt  }
0x3e: {  	_ =	shalt  }
0x3f: {  	_ =	shalt  }
0x40: {  	_ =	shalt  }
0x41: {  	_ =	shalt  }
0x42: {  	_ =	shalt  }
0x43: {  	_ =	shalt  }
0x44: {  	_ =	shalt  }
0x45: {  	_ =	shalt  }
0x46: {  	_ =	shalt  }
0x47: {  	_ =	shalt  }
0x48: {  	_ =	shalt  }
0x49: {  	_ =	shalt  }
0x4a: {  	_ =	shalt  }
0x4b: {  	_ =	shalt  }
0x4c: {  	_ =	shalt  }
0x4d: {  	_ =	shalt  }
0x4e: {  	_ =	shalt  }
0x4f: {  	_ =	shalt  }
0x50: {  	_ =	shalt  }
0x51: {  	_ =	shalt  }
0x52: {  	_ =	shalt  }
0x53: {  	_ =	shalt  }
0x54: {  	_ =	shalt  }
0x55: {  	_ =	shalt  }
0x56: {  	_ =	shalt  }
0x57: {  	_ =	shalt  }
0x58: {  	_ =	shalt  }
0x59: {  	_ =	shalt  }
0x5a: {  	_ =	shalt  }
0x5b: {  	_ =	shalt  }
0x5c: {  	_ =	shalt  }
0x5d: {  	_ =	shalt  }
0x5e: {  	_ =	shalt  }
0x5f: {  	_ =	shalt  }
0x60: {  	_ =	shalt  }
0x61: {  	_ =	shalt  }
0x62: {  	_ =	shalt  }
0x63: {  	_ =	shalt  }
0x64: {  	_ =	shalt  }
0x65: {  	_ =	shalt  }
0x66: {  	_ =	shalt  }
0x67: {  	_ =	shalt  }
0x68: {  	_ =	shalt  }
0x69: {  	_ =	shalt  }
0x6a: {  	_ =	shalt  }
0x6b: {  	_ =	shalt  }
0x6c: {  	_ =	shalt  }
0x6d: {  	_ =	shalt  }
0x6e: {  	_ =	shalt  }
0x6f: {  	_ =	shalt  }
0x70: {  	_ =	shalt  }
0x71: {  	_ =	shalt  }
0x72: {  	_ =	shalt  }
0x73: {  	_ =	shalt  }
0x74: {  	_ =	shalt  }
0x75: {  	_ =	shalt  }
0x76: {  	_ =	shalt  }
0x77: {  	_ =	shalt  }
0x78: {  	_ =	shalt  }
0x79: {  	_ =	shalt  }
0x7a: {  	_ =	shalt  }
0x7b: {  	_ =	shalt  }
0x7c: {  	_ =	shalt  }
0x7d: {  	_ =	shalt  }
0x7e: {  	_ =	shalt  }
0x7f: {  	_ =	shalt  }
0x80: {  	_ =	shalt  }
0x81: {  	_ =	shalt  }
0x82: {  	_ =	shalt  }
0x83: {  	_ =	shalt  }
0x84: {  	_ =	shalt  }
0x85: {  	_ =	shalt  }
0x86: {  	_ =	shalt  }
0x87: {  	_ =	shalt  }
.Lfunc_end0:
.L_simem_size_0:
called_computation.1_lowered:
.L_overlay_start_0:
0x88: {  	s2 =	sld [smem:$0x3FD9]  }
0x89: {  	s3 =	sld [smem:$0x3FFE];
	_ =	sdelay $0x1  }
0x8a: {  	s1 =	srdreg.scid  }
0x8b: {  	s0 =	sand.u32 $0x1, s1  }
0x8c: {  	s16 =	sshll.u32 s0, $0xA;
	s2 =	sadd.s32 s3, s2  }
0x8d: {  	s2 =	sadd.s32 s2, s16  }
0x8e: {  	[smem:$0x3FC2] =	sst s2  }
0x8f: {  	_ = 	snop  }
0x90: {  	(tm) =	ssettm $0x1  }
0x91: {  	s17 =	sld [smem:$0x3FFB];
	_ =	sdelay $0x3  }
0x92: {  	_ =	strace s17  }
0x93: {  	s2 =	sld [smem:$0x3FFC];
	_ =	sdelay $0x3  }
0x94: {  	_ =	strace s2  }
0x95: {  	s2 =	sld [smem:$0x3FFD];
	_ =	sdelay $0x3  }
0x96: {  	_ =	strace s2  }
0x97: {  	_ =	strace $0x8FFFFFFF  }
0x98: {  	s18 =	sld [smem:$0x3FDB];
	_ =	sdelay $0x1  }
0x99: {  	s19 =	simm.s32 $_scs_section_size  }
0x9a: {  	s4 =	simm.s32 $_size__tile_overlayer_lowered;
	s5 =	simm.s32 $_tile_overlayer_lowered  }
0x9b: {  	s22 =	simm.s32 $0x1BFF;
	s21 =	sshll.u32 s5, $0x1;
	s2 =	sadd.s32 s19, s18  }
0x9c: {  	s6 =	simm.s32 $0x0;
	s20 =	sshll.u32 s4, $0x1;
	s4 =	sadd.s32 s21, s2  }
0x9d: {  	[timem:s6], [sflag:s22] =	dma.local [hbm:s4], s20  }
0x9e: {  	_ =	swait.ge [sflag:s22], s20  }
0x9f: {  	s3 =	ssub.s32 $0x0, s20;
	[sflag:s22] =	ssyncset.done $0x0  }
0xa0: {  	[sflag:s22] =	ssyncadd.s32 s3;
	_ =	sdelay $0x1  }
0xa1: {  	s23 =	simm.s32 $0x1B8B  }
0xa2: {  	_ =	swait.ge [sflag:s23], $0x1  }
0xa3: {  	[sflag:s23] =	ssyncset.done $0x0  }
0xa4: {  	s25 =	simm.s32 $0x1B8E;
	s24 =	sld [smem:$0x3FFE];
	[sflag:s23] =	ssyncadd.s32 $0xFFFFFFFF  }
0xa5: {  	s26 =	simm.s32 $execute0_lowered;
	[smem:$0x3FD2] =	sst s25  }
0xa6: {  	s4 =	sshll.u32 s26, $0x1;
	_ =	strace $0x80000049;
	[dreg:$0x1] =	wrdreg $0xFFFFFFFF  }
0xa7: {  	s28 =	simm.s32 $_size_execute0_lowered;
	s2 =	sadd.s32 s2, s4;
	[dreg:$0x0] =	wrdreg $0x0  }
0xa8: {  	s4 =	sshll.u32 s28, $0x1;
	[dreg:$0x2] =	wrdreg s2  }
0xa9: {  	[dreg:$0x3] =	wrdreg s4  }
0xaa: {  	[dreg:$0x4] =	wrdreg $0xC0  }
0xab: {  	_ =	task [dreg:s6], $0x5FFFF  }
0xac: {  	[dreg:$0x1] =	wrdreg $0xFFFFFFFF  }
0xad: {  	[dreg:$0x0] =	wrdreg $0x60  }
0xae: {  	[dreg:$0x2] =	wrdreg s24  }
0xaf: {  	[dreg:$0x3] =	wrdreg $0xBB800  }
0xb0: {  	[dreg:$0x4] =	wrdreg $0x9  }
0xb1: {  	_ =	task.clear_ibuf [dreg:s6], $0x5FFFF;
	_ =	strace $0x90000049  }
0xb2: {  	s29 =	simm.s32 $0x9;
	_ =	strace $0x8000004B  }
0xb3: {  	_ =	swait.ge [sflag:s29], $0x1  }
0xb4: {  	[sflag:s29] =	ssyncadd.s32 $0xFFFFFFFF  }
0xb5: {  	_ =	strace $0x9000004B  }
0xb6: {  	_ =	sfence  }
0xb7: {  	s30 =	sld [smem:$0x0];
	_ =	sdelay $0x2  }
0xb8: {  	s31 =	sshll.u32 s1, $0xD;
	s1 =	sshrl.u32 s1, $0x2  }
0xb9: {  	s3 =	sand.u32 $0x4000, s31;
	s1 =	sadd.s32 s1, s30  }
0xba: {  	s0 =	sor.u32 s3, s0;
	s1 =	sshll.u32 s1, $0x11  }
0xbb: {  	s0 =	sor.u32 s1, s0  }
0xbc: {  	s0 =	sadd.s32 $0x8F2B, s0  }
0xbd: {  	[sflag:s0] =	ssyncadd.remote.s32 $0x1  }
0xbe: {  	_ =	sfence.sel $0xFFFF  }
0xbf: {  	[dreg:$0x0] =	wrdreg $0xFFFFFFFF;
	(pc) =	sbr.abs _section_cstart, $3  }
0xc0: {  	[dreg:$0x1] =	wrdreg $0xFFFFFFFF  }
0xc1: {  	_ =	task.clear_ibuf [dreg:s6], $0x2FFFF;
	_ =	strace $0x9FFFFFFF  }
0xc2: {  	(tm) =	ssettm $0x7FFFFFFF  }
0xc3: {  	_ =	shalt  }
tec
execute0_lowered:
.L_overlay_start_1:
0x0: {  	(tag) =	ssettag $0x1  }
0x1: {  	s0 =	srdreg.scid;
	s6 =	rddreg [dreg:$0x0]  }
0x2: {  	s11 =	stileid.u32;
	s2 =	rddreg [dreg:$0x1]  }
0x3: {  	s3 =	simm.s32 $0x0;
	s14 =	simm.s32 $0x32;
	s15 =	simm.s32 $0x5780  }
0x4: {  	s16 =	simm.s32 $0x38;
	s17 =	simm.s32 $0x7080;
	s18 =	simm.s32 $0x70  }
0x5: {  	s19 =	simm.s32 $0x8980;
	s20 =	simm.s32 $0xA8;
	s21 =	simm.s32 $0xA280  }
0x6: {  	s22 =	simm.s32 $0x1;
	s23 =	simm.s32 $0x2;
	s24 =	simm.s32 $0x3  }
0x7: {  	s28 =	simm.s32 $0x56D8;
	s29 =	simm.s32 $0x5710;
	s30 =	simm.s32 $0x5748  }
0x8: {  	s31 =	simm.s32 $0x0;
	s0 =	sand.u32 $0x1, s0;
	s1 =	sshll.u32 s11, $0x1  }
0x9: {  	s8 =	smul.u32 $0x14000, s11;
	[smem:$0x7FF] =	sst s3;
	s26 =	sshll.u32 s11, $0x6  }
0xa: {  	s1 =	sor.u32 s0, s1;
	s4 =	smul.u32 $0x140000, s0;
	_ =	strace $0x8000004A  }
0xb: {  	s0 =	ssub.s32 $0x2, s0;
	s12 =	sor.u32 $0x1C05, s26;
	s26 =	simm.s32 $0x56A0  }
0xc: {  	s1 =	smul.u32 $0x2BC0, s1;
	s9 =	sshrl.u32 s0, $0x1;
	s25 =	sadd.s32 s8, s2  }
0xd: {  	s5 =	sadd.s32 s8, s4;
	s4 =	sadd.s32 $0x86800, s6;
	s0 =	ssub.s32 s0, s9  }
0xe: {  	s13 =	sshrl.u32 s25, $0x3;
	s25 =	simm.s32 $0x4;
	s1 =	sshrl.u32 s1, $0x3  }
0xf: {  	s7 =	sshrl.u32 s5, $0x3;
	s5 =	sadd.s32 $0x2800, s6;
	s1 =	sadd.s32 s1, s6  }
0x10: {  	s9 =	smax.u32 s0, $0x1;
	s10 =	sadd.s32 s7, s6;
	s6 =	sadd.s32 $0x20A00, s1  }
0x11: {  	s7 =	sadd.s32 $0x2B900, s1;
	s8 =	sadd.s32 $0xADA00, s10;
	s10 =	simm.s32 $0x5  }
.LBB2_1:
0x12: {  	[tilespmem:s3], [sflag:$0x5] =	stream.linear.gather [hbm4b:s6+s3], $0x2BC0, $0x38;
	[tilespmem:$0x1FB80] =	vst v63  }
0x13: {  	_ =	swait.ge [sflag:s10], $0x2BC0  }
0x14: {  	[sflag:s10] =	ssyncset.done $0x0  }
0x15: {  	s0 =	simm.s32 $0x2BC0;
	[sflag:s10] =	ssyncadd.s32 $0xFFFFD440  }
0x16: {  	[tilespmem:s0], [sflag:$0x5] =	stream.linear.gather [hbm4b:s7+s3], $0x2BC0, $0x38;
	[tilespmem:$0x1FB80] =	vst v63  }
0x17: {  	_ =	swait.ge [sflag:s10], $0x2BC0  }
0x18: {  	[sflag:s10] =	ssyncset.done $0x0  }
0x19: {  	[sflag:s10] =	ssyncadd.s32 $0xFFFFD440  }
0x1a: {  	[spmem:s13], [sflag:s12] =	dma.local [hbm:s5], $0x2800  }
0x1b: {  	_ =	swait.ge [sflag:s10], $0x2800  }
0x1c: {  	[sflag:s10] =	ssyncset.done $0x0  }
0x1d: {  	[sflag:s10] =	ssyncadd.s32 $0xFFFFD800  }
0x1e: {  	[bflag:$0x0] =	sbarrier.arrive $0xFFFF  }
0x1f: {  	[tilespmem:s15], [sflag:$0x1] =	stream.indirect.gather [hbm4b:s4+s14], $0x80, s3, s14, $0xb8;
	[tilespmem:$0x1FB80] =	vst v63  }
0x20: {  	_ = 	snop  }
0x21: {  	[tilespmem:s17], [sflag:$0x2] =	stream.indirect.gather [hbm4b:s4+s14], $0x80, s16, s14, $0xb8;
	[tilespmem:$0x1FB80] =	vst v63  }
0x22: {  	_ = 	snop  }
0x23: {  	[tilespmem:s19], [sflag:$0x3] =	stream.indirect.gather [hbm4b:s4+s14], $0x80, s18, s14, $0xb8;
	[tilespmem:$0x1FB80] =	vst v63  }
0x24: {  	_ = 	snop  }
0x25: {  	[tilespmem:s21], [sflag:$0x4] =	stream.indirect.gather [hbm4b:s4+s14], $0x80, s20, s14, $0xb8;
	[tilespmem:$0x1FB80] =	vst v63  }
0x26: {  	_ =	swait.ge [sflag:s22], $0x1900  }
0x27: {  	[sflag:s22] =	ssyncset.done $0x0  }
0x28: {  	s11 =	simm.s32 $0x2BC0;
	[sflag:s22] =	ssyncadd.s32 $0xFFFFE700  }
0x29: {  	[spmem:s2] =	stream.indirect.scatter.add.f32 [tilespmem:s15], [sflag:$0x5], $0x80, s11, s14, $0xb8;
	[tilespmem:$0x1FB80] =	vst v63  }
0x2a: {  	_ =	swait.ge [sflag:s10], $0x1900  }
0x2b: {  	[sflag:s10] =	ssyncset.done $0x0  }
0x2c: {  	s1 =	simm.s32 $0xE0;
	[sflag:s10] =	ssyncadd.s32 $0xFFFFE700  }
0x2d: {  	[tilespmem:s15], [sflag:$0x1] =	stream.indirect.gather [hbm4b:s4+s14], $0x80, s1, s14, $0xb8;
	[tilespmem:$0x1FB80] =	vst v63  }
0x2e: {  	_ =	swait.ge [sflag:s23], $0x1900  }
0x2f: {  	[sflag:s23] =	ssyncset.done $0x0  }
0x30: {  	s11 =	simm.s32 $0x2BF8;
	[sflag:s23] =	ssyncadd.s32 $0xFFFFE700  }
0x31: {  	[spmem:s2] =	stream.indirect.scatter.add.f32 [tilespmem:s17], [sflag:$0x5], $0x80, s11, s14, $0xb8;
	[tilespmem:$0x1FB80] =	vst v63  }
0x32: {  	_ =	swait.ge [sflag:s10], $0x1900  }
0x33: {  	[sflag:s10] =	ssyncset.done $0x0  }
0x34: {  	s1 =	simm.s32 $0x118;
	[sflag:s10] =	ssyncadd.s32 $0xFFFFE700  }
0x35: {  	[tilespmem:s17], [sflag:$0x2] =	stream.indirect.gather [hbm4b:s4+s14], $0x80, s1, s14, $0xb8;
	[tilespmem:$0x1FB80] =	vst v63  }
0x36: {  	_ =	swait.ge [sflag:s24], $0x1900  }
0x37: {  	[sflag:s24] =	ssyncset.done $0x0  }
0x38: {  	s11 =	simm.s32 $0x2C30;
	[sflag:s24] =	ssyncadd.s32 $0xFFFFE700  }
0x39: {  	[spmem:s2] =	stream.indirect.scatter.add.f32 [tilespmem:s19], [sflag:$0x5], $0x80, s11, s14, $0xb8;
	[tilespmem:$0x1FB80] =	vst v63  }
0x3a: {  	_ =	swait.ge [sflag:s10], $0x1900  }
0x3b: {  	[sflag:s10] =	ssyncset.done $0x0  }
0x3c: {  	s1 =	simm.s32 $0x150;
	[sflag:s10] =	ssyncadd.s32 $0xFFFFE700  }
0x3d: {  	[tilespmem:s19], [sflag:$0x3] =	stream.indirect.gather [hbm4b:s4+s14], $0x80, s1, s14, $0xb8;
	[tilespmem:$0x1FB80] =	vst v63  }
0x3e: {  	_ =	swait.ge [sflag:s25], $0x1900  }
0x3f: {  	[sflag:s25] =	ssyncset.done $0x0  }
0x40: {  	s11 =	simm.s32 $0x2C68;
	[sflag:s25] =	ssyncadd.s32 $0xFFFFE700  }
0x41: {  	[spmem:s2] =	stream.indirect.scatter.add.f32 [tilespmem:s21], [sflag:$0x5], $0x80, s11, s14, $0xb8;
	[tilespmem:$0x1FB80] =	vst v63  }
0x42: {  	_ =	swait.ge [sflag:s10], $0x1900  }
0x43: {  	[sflag:s10] =	ssyncset.done $0x0  }
0x44: {  	s0 =	simm.s32 $0x188;
	s1 =	simm.s32 $0x380;
	[sflag:s10] =	ssyncadd.s32 $0xFFFFE700  }
.LBB2_2:
0x45: {  	[tilespmem:s21], [sflag:$0x4] =	stream.indirect.gather [hbm4b:s4+s14], $0x80, s0, s14, $0xb8;
	[tilespmem:$0x1FB80] =	vst v63  }
0x46: {  	s0 =	smov.u32 s1  }
0x47: {  	p0 =	sne.s32 s1, $0xA800;
	s1 =	sadd.s32 $0x380, s1;
	_ =	swait.ge [sflag:s22], $0x1900  }
0x48: {  	s0 =	sshra.s32 s0, $0x2;
	[sflag:s22] =	ssyncset.done $0x0  }
0x49: {  	s11 =	sadd.s32 $0x2BC0, s0;
	[sflag:s22] =	ssyncadd.s32 $0xFFFFE700  }
0x4a: {  	[spmem:s2] =	stream.indirect.scatter.add.f32 [tilespmem:s15], [sflag:$0x5], $0x80, s11, s14, $0xb8;
	[tilespmem:$0x1FB80] =	vst v63  }
0x4b: {  	_ =	swait.ge [sflag:s10], $0x1900  }
0x4c: {  	[sflag:s10] =	ssyncset.done $0x0  }
0x4d: {  	s11 =	sadd.s32 $0xE0, s0;
	[sflag:s10] =	ssyncadd.s32 $0xFFFFE700  }
0x4e: {  	[tilespmem:s15], [sflag:$0x1] =	stream.indirect.gather [hbm4b:s4+s14], $0x80, s11, s14, $0xb8;
	[tilespmem:$0x1FB80] =	vst v63  }
0x4f: {  	_ =	swait.ge [sflag:s23], $0x1900  }
0x50: {  	[sflag:s23] =	ssyncset.done $0x0  }
0x51: {  	s11 =	sadd.s32 $0x2BF8, s0;
	[sflag:s23] =	ssyncadd.s32 $0xFFFFE700  }
0x52: {  	[spmem:s2] =	stream.indirect.scatter.add.f32 [tilespmem:s17], [sflag:$0x5], $0x80, s11, s14, $0xb8;
	[tilespmem:$0x1FB80] =	vst v63  }
0x53: {  	_ =	swait.ge [sflag:s10], $0x1900  }
0x54: {  	[sflag:s10] =	ssyncset.done $0x0  }
0x55: {  	s11 =	sadd.s32 $0x118, s0;
	[sflag:s10] =	ssyncadd.s32 $0xFFFFE700  }
0x56: {  	[tilespmem:s17], [sflag:$0x2] =	stream.indirect.gather [hbm4b:s4+s14], $0x80, s11, s14, $0xb8;
	[tilespmem:$0x1FB80] =	vst v63  }
0x57: {  	_ =	swait.ge [sflag:s24], $0x1900  }
0x58: {  	[sflag:s24] =	ssyncset.done $0x0  }
0x59: {  	s11 =	sadd.s32 $0x2C30, s0;
	[sflag:s24] =	ssyncadd.s32 $0xFFFFE700  }
0x5a: {  	[spmem:s2] =	stream.indirect.scatter.add.f32 [tilespmem:s19], [sflag:$0x5], $0x80, s11, s14, $0xb8;
	[tilespmem:$0x1FB80] =	vst v63  }
0x5b: {  	_ =	swait.ge [sflag:s10], $0x1900  }
0x5c: {  	[sflag:s10] =	ssyncset.done $0x0  }
0x5d: {  	s11 =	sadd.s32 $0x150, s0;
	[sflag:s10] =	ssyncadd.s32 $0xFFFFE700  }
0x5e: {  	[tilespmem:s19], [sflag:$0x3] =	stream.indirect.gather [hbm4b:s4+s14], $0x80, s11, s14, $0xb8;
	[tilespmem:$0x1FB80] =	vst v63  }
0x5f: {  	_ =	swait.ge [sflag:s25], $0x1900  }
0x60: {  	[sflag:s25] =	ssyncset.done $0x0  }
.Ltmp0:
0x61: {  	s11 =	sadd.s32 $0x2C68, s0;
	[sflag:s25] =	ssyncadd.s32 $0xFFFFE700;
	(pc) =	sbr.rel @p0 .LBB2_2-.Ltmp0, $4  }
0x62: {  	[spmem:s2] =	stream.indirect.scatter.add.f32 [tilespmem:s21], [sflag:$0x5], $0x80, s11, s14, $0xb8;
	[tilespmem:$0x1FB80] =	vst v63  }
0x63: {  	_ =	swait.ge [sflag:s10], $0x1900  }
0x64: {  	[sflag:s10] =	ssyncset.done $0x0  }
0x65: {  	s0 =	sadd.s32 $0x188, s0;
	[sflag:s10] =	ssyncadd.s32 $0xFFFFE700  }
0x66: {  	[tilespmem:s21], [sflag:$0x4] =	stream.indirect.gather [hbm4b:s4+s14], $0x80, s0, s14, $0xb8;
	[tilespmem:$0x1FB80] =	vst v63  }
0x67: {  	_ =	swait.ge [sflag:s22], $0x1900  }
0x68: {  	[sflag:s22] =	ssyncset.done $0x0  }
0x69: {  	[sflag:s22] =	ssyncadd.s32 $0xFFFFE700  }
0x6a: {  	[spmem:s2] =	stream.indirect.scatter.add.f32 [tilespmem:s15], [sflag:$0x5], $0x80, s26, s14, $0xb8;
	[tilespmem:$0x1FB80] =	vst v63  }
0x6b: {  	_ =	swait.ge [sflag:s10], $0x1900  }
0x6c: {  	[sflag:s10] =	ssyncset.done $0x0  }
0x6d: {  	[sflag:s10] =	ssyncadd.s32 $0xFFFFE700  }
0x6e: {  	_ =	swait.ge [sflag:s23], $0x1900  }
0x6f: {  	[sflag:s23] =	ssyncset.done $0x0  }
0x70: {  	[sflag:s23] =	ssyncadd.s32 $0xFFFFE700  }
0x71: {  	[spmem:s2] =	stream.indirect.scatter.add.f32 [tilespmem:s17], [sflag:$0x5], $0x80, s28, s14, $0xb8;
	[tilespmem:$0x1FB80] =	vst v63  }
0x72: {  	_ =	swait.ge [sflag:s10], $0x1900  }
0x73: {  	[sflag:s10] =	ssyncset.done $0x0  }
0x74: {  	[sflag:s10] =	ssyncadd.s32 $0xFFFFE700  }
0x75: {  	_ =	swait.ge [sflag:s24], $0x1900  }
0x76: {  	[sflag:s24] =	ssyncset.done $0x0  }
0x77: {  	[sflag:s24] =	ssyncadd.s32 $0xFFFFE700  }
0x78: {  	[spmem:s2] =	stream.indirect.scatter.add.f32 [tilespmem:s19], [sflag:$0x5], $0x80, s29, s14, $0xb8;
	[tilespmem:$0x1FB80] =	vst v63  }
0x79: {  	_ =	swait.ge [sflag:s10], $0x1900  }
0x7a: {  	[sflag:s10] =	ssyncset.done $0x0  }
0x7b: {  	[sflag:s10] =	ssyncadd.s32 $0xFFFFE700  }
0x7c: {  	_ =	swait.ge [sflag:s25], $0x1900  }
0x7d: {  	[sflag:s25] =	ssyncset.done $0x0  }
0x7e: {  	[sflag:s25] =	ssyncadd.s32 $0xFFFFE700  }
0x7f: {  	[spmem:s2] =	stream.indirect.scatter.add.f32 [tilespmem:s21], [sflag:$0x5], $0x80, s30, s14, $0xb8;
	[tilespmem:$0x1FB80] =	vst v63  }
0x80: {  	_ =	swait.ge [sflag:s10], $0x1900  }
0x81: {  	s31 =	sadd.s32 $0x1, s31;
	[sflag:s10] =	ssyncset.done $0x0  }
0x82: {  	p0 =	sne.s32 s31, s9;
	[sflag:s10] =	ssyncadd.s32 $0xFFFFE700  }
.Ltmp1:
0x83: {  	[bflag:$0x0] =	sbarrier.arrive $0xFFFF;
	(pc) =	sbr.rel @p0 .LBB2_1-.Ltmp1, $4  }
0x84: {  	[hbm:s8], [sflag:s12] =	dma.local [spmem:s13], $0x2800  }
0x85: {  	_ =	swait.ge [sflag:s10], $0x2800  }
0x86: {  	[sflag:s10] =	ssyncset.done $0x0  }
0x87: {  	[sflag:s10] =	ssyncadd.s32 $0xFFFFD800  }
0x88: {  	_ =	sfence.sel $0x180000  }
0x89: {  	[bflag:$0x0] =	sbarrier.arrive $0xFFFF  }
0x8a: {  	_ =	strace $0x9000004A  }
0x8b: {  	s0 =	stileid.u32;
	[bflag:$0x2] =	sbarrier.arrive $0xFFFF  }
0x8c: {  	p0 =	sne.s32 s0, $0x0;
	s0 =	rddreg [dreg:$0x2]  }
0x8d: {  	s0 =	sadd.s32 @!p0 $0x100000, s0  }
0x8e: {  	[sflag:s0] =	ssyncadd.tile.s32 @!p0 $0x1;
	_ =	shalt  }
.Lfunc_end2:
_tile_overlayer_lowered:
.L_overlay_start_2:
0x8f: {  	(tag) =	ssettag $0x2  }
0x90: {  	s0 =	rddreg [dreg:$0x0];
	s2 =	stileid.u32  }
0x91: {  	s1 =	rddreg [dreg:$0x1];
	p0 =	sne.s32 s2, $0x0  }
0x92: {  	s3 =	rddreg [dreg:$0x2];
	[bflag:$0x3] =	sbarrier.arrive $0xFFFF;
	s2 =	simm.s32 @!p0 $0x1C05  }
0x93: {  	[timem:s3], [sflag:s2] =	dma.local @!p0 [hbm:s0], s1  }
0x94: {  	s0 =	simm.s32 @!p0 $0x5  }
0x95: {  	_ =	swait.ge @!p0 [sflag:s0], s1  }
0x96: {  	s1 =	ssub.s32 @!p0 $0x0, s1;
	[sflag:s0] =	ssyncset.done @!p0 $0x0  }
0x97: {  	[sflag:s0] =	ssyncadd.s32 @!p0 s1  }
0x98: {  	[bflag:$0x3] =	sbarrier.arrive $0xFFFF  }
0x99: {  	_ =	shalt  }

// kernel: kernel.14.cloned.1.call-start
scs
__scs_entry_jumppad:
0x0: {  	(pc) =	sbr.rel $0x88, $3  }
0x1: {  	(tag) =	ssettag $0x0;
	lr =	simm.s32 $0x1  }
0x2: {  	[smem:$0x3F9B] =	sst lr;
	_ =	strace $0xD0000000  }
0x3: {  	_ = 	snop  }
0x4: {  	_ = 	snop  }
0x5: {  	_ = 	snop  }
0x6: {  	_ = 	snop  }
0x7: {  	_ = 	snop  }
__scs_overlays_trampoline_lowered:
0x8: {  	[smem:$0x3FAA] =	sst s0  }
0x9: {  	[smem:$0x3FAB] =	sst s1  }
0xa: {  	[smem:$0x3FAC] =	sst s2  }
0xb: {  	[smem:$0x3FAD] =	sst s3  }
0xc: {  	[smem:$0x3FAE] =	sst s4  }
0xd: {  	[smem:$0x3FAF] =	sst s5  }
0xe: {  	[smem:$0x3FB0] =	sst s6  }
0xf: {  	[smem:$0x3FB1] =	sst s7  }
0x10: {  	[smem:$0x3FB2] =	sst s8  }
0x11: {  	[smem:$0x3FB3] =	sst s9;
	s0 =	simm.s32 @!p0 $0x0  }
0x12: {  	s1 =	sld [smem:$0x3F99];
	s0 =	simm.s32 @p0 $0x1  }
0x13: {  	[smem:$0x3FB4] =	sst s0;
	s0 =	simm.s32 @!p1 $0x0  }
0x14: {  	s2 =	sld [smem:$0x3F98];
	s0 =	simm.s32 @p1 $0x1  }
0x15: {  	[smem:$0x3FB5] =	sst s0;
	s0 =	simm.s32 @!p2 $0x0  }
0x16: {  	s3 =	sld [smem:$0x3FDB];
	s0 =	simm.s32 @p2 $0x1  }
0x17: {  	s4 =	simm.s32 $0x1BF5;
	[smem:$0x3FB7] =	sst s0  }
0x18: {  	s0 =	sld [smem:$0x3F9A];
	_ =	swait.ge [sflag:s4], $0x0  }
0x19: {  	s7 =	sld [smem:$0x3F9B]  }
0x1a: {  	s8 =	sadd.s32 $0xFFFFE003, lr  }
0x1b: {  	s9 =	sadd.s32 $0xFFFFFEF7, lr;
	s5 =	simm.s32 $0xFFFFFFFF;
	p2 =	slt.u32 s8, $0xFFFFF086  }
0x1c: {  	p1 =	slt.u32 s9, $0xF7A;
	s5 =	simm.s32 @!p2 $0x0  }
0x1d: {  	s5 =	simm.s32 @p1 $0x1;
	p0 =	seq.s32 s7, s2  }
0x1e: {  	s7 =	smul.u32 @!p0 $0xF7A, s2;
	p2 =	seq.s32 @!p0 s5, $0x0  }
0x1f: {  	s9 =	smul.u32 $0xF7A, s1;
	s8 =	simm.s32 @!p0 $0x1BF5;
	p2 =	por !p2, p0  }
0x20: {  	[sflag:s8] =	ssyncset.s32 @!p0 $0xFFFFF086;
	s6 =	sadd.s32 @!p0 s3, s7;
	s7 =	simm.s32 @!p0 $0x108  }
0x21: {  	s3 =	sadd.s32 s3, s9;
	s6 =	sadd.s32 @!p0 $0x88, s6;
	s7 =	simm.s32 @p2 $0x1082  }
0x22: {  	[simem:s7], [sflag:s8] =	dma.local @!p0 [hbm:s6], $0xF7A  }
0x23: {  	s9 =	sor.u32 $0xD0000000, s2;
	s6 =	simm.s32 $0x108;
	_ =	swait.ge @!p0 [sflag:s8], $0x0  }
0x24: {  	s3 =	sadd.s32 $0x88, s3;
	s6 =	simm.s32 @!p1 $0x1082;
	[sflag:s4] =	ssyncset.s32 $0xFFFFF086  }
0x25: {  	[simem:s6], [sflag:s4] =	dma.local [hbm:s3], $0xF7A  }
0x26: {  	[smem:$0x3F9B] =	sst s1;
	(tag) =	ssettag s2;
	_ =	strace s9  }
0x27: {  	s1 =	sld [smem:$0x3FAB]  }
0x28: {  	s2 =	sld [smem:$0x3FAC]  }
0x29: {  	s4 =	sld [smem:$0x3FAE]  }
0x2a: {  	p0 =	seq.s32 s5, $0x0;
	s5 =	sld [smem:$0x3FAF]  }
0x2b: {  	s6 =	sld [smem:$0x3FB0]  }
0x2c: {  	s7 =	sld [smem:$0x3FB1]  }
0x2d: {  	s3 =	simm.s32 $0x108;
	s8 =	sld [smem:$0x3FB2]  }
0x2e: {  	s3 =	simm.s32 @!p0 $0x1082;
	s9 =	sld [smem:$0x3FB3]  }
0x2f: {  	lr =	sadd.s32 s0, s3;
	s0 =	sld [smem:$0x3FAA]  }
0x30: {  	s3 =	sld [smem:$0x3FAD]  }
0x31: {  	[smem:$0x3FB6] =	sst s10  }
0x32: {  	s10 =	sld [smem:$0x3FB4];
	_ =	sdelay $0x3  }
0x33: {  	p0 =	seq.s32 s10, $0x1;
	s10 =	sld [smem:$0x3FB6];
	_ =	sdelay $0x3  }
0x34: {  	[smem:$0x3FB6] =	sst s10  }
0x35: {  	s10 =	sld [smem:$0x3FB5];
	_ =	sdelay $0x3  }
0x36: {  	p1 =	seq.s32 s10, $0x1;
	s10 =	sld [smem:$0x3FB6];
	_ =	sdelay $0x3  }
0x37: {  	[smem:$0x3FB6] =	sst s10  }
0x38: {  	s10 =	sld [smem:$0x3FB7]  }
0x39: {  	_ = 	snop;
	(pc) =	sbr.ind lr, $3  }
0x3a: {  	_ = 	snop  }
0x3b: {  	_ = 	snop  }
0x3c: {  	p2 =	seq.s32 s10, $0x1;
	s10 =	sld [smem:$0x3FB6]  }
0x3d: {  	_ =	shalt  }
0x3e: {  	_ =	shalt  }
0x3f: {  	_ =	shalt  }
0x40: {  	_ =	shalt  }
0x41: {  	_ =	shalt  }
0x42: {  	_ =	shalt  }
0x43: {  	_ =	shalt  }
0x44: {  	_ =	shalt  }
0x45: {  	_ =	shalt  }
0x46: {  	_ =	shalt  }
0x47: {  	_ =	shalt  }
0x48: {  	_ =	shalt  }
0x49: {  	_ =	shalt  }
0x4a: {  	_ =	shalt  }
0x4b: {  	_ =	shalt  }
0x4c: {  	_ =	shalt  }
0x4d: {  	_ =	shalt  }
0x4e: {  	_ =	shalt  }
0x4f: {  	_ =	shalt  }
0x50: {  	_ =	shalt  }
0x51: {  	_ =	shalt  }
0x52: {  	_ =	shalt  }
0x53: {  	_ =	shalt  }
0x54: {  	_ =	shalt  }
0x55: {  	_ =	shalt  }
0x56: {  	_ =	shalt  }
0x57: {  	_ =	shalt  }
0x58: {  	_ =	shalt  }
0x59: {  	_ =	shalt  }
0x5a: {  	_ =	shalt  }
0x5b: {  	_ =	shalt  }
0x5c: {  	_ =	shalt  }
0x5d: {  	_ =	shalt  }
0x5e: {  	_ =	shalt  }
0x5f: {  	_ =	shalt  }
0x60: {  	_ =	shalt  }
0x61: {  	_ =	shalt  }
0x62: {  	_ =	shalt  }
0x63: {  	_ =	shalt  }
0x64: {  	_ =	shalt  }
0x65: {  	_ =	shalt  }
0x66: {  	_ =	shalt  }
0x67: {  	_ =	shalt  }
0x68: {  	_ =	shalt  }
0x69: {  	_ =	shalt  }
0x6a: {  	_ =	shalt  }
0x6b: {  	_ =	shalt  }
0x6c: {  	_ =	shalt  }
0x6d: {  	_ =	shalt  }
0x6e: {  	_ =	shalt  }
0x6f: {  	_ =	shalt  }
0x70: {  	_ =	shalt  }
0x71: {  	_ =	shalt  }
0x72: {  	_ =	shalt  }
0x73: {  	_ =	shalt  }
0x74: {  	_ =	shalt  }
0x75: {  	_ =	shalt  }
0x76: {  	_ =	shalt  }
0x77: {  	_ =	shalt  }
0x78: {  	_ =	shalt  }
0x79: {  	_ =	shalt  }
0x7a: {  	_ =	shalt  }
0x7b: {  	_ =	shalt  }
0x7c: {  	_ =	shalt  }
0x7d: {  	_ =	shalt  }
0x7e: {  	_ =	shalt  }
0x7f: {  	_ =	shalt  }
0x80: {  	_ =	shalt  }
0x81: {  	_ =	shalt  }
0x82: {  	_ =	shalt  }
0x83: {  	_ =	shalt  }
0x84: {  	_ =	shalt  }
0x85: {  	_ =	shalt  }
0x86: {  	_ =	shalt  }
0x87: {  	_ =	shalt  }
.Lfunc_end0:
.L_simem_size_0:
called_computation.2_lowered:
.L_overlay_start_0:
0x88: {  	s2 =	sld [smem:$0x3FD9]  }
0x89: {  	s3 =	sld [smem:$0x3FFE];
	_ =	sdelay $0x1  }
0x8a: {  	s1 =	srdreg.scid  }
0x8b: {  	s0 =	sand.u32 $0x1, s1  }
0x8c: {  	s17 =	sshll.u32 s0, $0xA;
	s2 =	sadd.s32 s3, s2  }
0x8d: {  	s2 =	sadd.s32 s2, s17  }
0x8e: {  	[smem:$0x3FC2] =	sst s2  }
0x8f: {  	_ = 	snop  }
0x90: {  	s2 =	sld [smem:$0x3FD0];
	(tm) =	ssettm $0x1  }
0x91: {  	s18 =	sld [smem:$0x3FFB];
	_ =	sdelay $0x3  }
0x92: {  	_ =	strace s18  }
0x93: {  	s3 =	sld [smem:$0x3FFC];
	_ =	sdelay $0x3  }
0x94: {  	_ =	strace s3  }
0x95: {  	s3 =	sld [smem:$0x3FFD];
	_ =	sdelay $0x3  }
0x96: {  	_ =	strace s3  }
0x97: {  	_ =	strace $0x8FFFFFFF  }
0x98: {  	s19 =	sld [smem:$0x3FDB];
	_ =	sdelay $0x1  }
0x99: {  	s4 =	simm.s32 $_scs_section_size  }
0x9a: {  	s5 =	simm.s32 $_size__tile_overlayer_lowered;
	s6 =	simm.s32 $_tile_overlayer_lowered  }
0x9b: {  	s22 =	simm.s32 $0x1BFF;
	s21 =	sshll.u32 s6, $0x1;
	s3 =	sadd.s32 s4, s19  }
0x9c: {  	s7 =	simm.s32 $0x0;
	s20 =	sshll.u32 s5, $0x1;
	s5 =	sadd.s32 s21, s3  }
0x9d: {  	[timem:s7], [sflag:s22] =	dma.local [hbm:s5], s20  }
0x9e: {  	_ =	swait.ge [sflag:s22], s20  }
0x9f: {  	s4 =	ssub.s32 $0x0, s20;
	[sflag:s22] =	ssyncset.done $0x0  }
0xa0: {  	[sflag:s22] =	ssyncadd.s32 s4;
	_ =	sdelay $0x1  }
0xa1: {  	s23 =	simm.s32 $0x1B8B  }
0xa2: {  	_ =	swait.ge [sflag:s23], $0x1  }
0xa3: {  	[sflag:s23] =	ssyncset.done $0x0  }
0xa4: {  	s25 =	simm.s32 $0x1B8E;
	s24 =	sld [smem:$0x3FFE];
	[sflag:s23] =	ssyncadd.s32 $0xFFFFFFFF  }
0xa5: {  	s26 =	simm.s32 $execute0_lowered;
	[smem:$0x3FD2] =	sst s25  }
0xa6: {  	s5 =	sshll.u32 s26, $0x1;
	_ =	strace $0x8000004C;
	[dreg:$0x1] =	wrdreg $0xFFFFFFFF  }
0xa7: {  	s28 =	simm.s32 $_size_execute0_lowered;
	s3 =	sadd.s32 s3, s5;
	[dreg:$0x0] =	wrdreg $0x0  }
0xa8: {  	s5 =	sshll.u32 s28, $0x1;
	[dreg:$0x2] =	wrdreg s3  }
0xa9: {  	[dreg:$0x3] =	wrdreg s5  }
0xaa: {  	[dreg:$0x4] =	wrdreg $0xC0  }
0xab: {  	_ =	task [dreg:s7], $0x5FFFF  }
0xac: {  	[dreg:$0x1] =	wrdreg $0xFFFFFFFF  }
0xad: {  	[dreg:$0x0] =	wrdreg $0x60  }
0xae: {  	[dreg:$0x2] =	wrdreg s24  }
0xaf: {  	[dreg:$0x3] =	wrdreg s2  }
0xb0: {  	[dreg:$0x4] =	wrdreg $0x6A400  }
0xb1: {  	[dreg:$0x5] =	wrdreg $0x92400  }
0xb2: {  	[dreg:$0x6] =	wrdreg $0x9  }
0xb3: {  	_ =	task.clear_ibuf [dreg:s7], $0x7FFFF;
	_ =	strace $0x9000004C  }
0xb4: {  	s29 =	simm.s32 $0x9;
	_ =	strace $0x8000004E  }
0xb5: {  	_ =	swait.ge [sflag:s29], $0x1  }
0xb6: {  	[sflag:s29] =	ssyncadd.s32 $0xFFFFFFFF  }
0xb7: {  	_ =	strace $0x9000004E  }
0xb8: {  	_ =	sfence  }
0xb9: {  	s30 =	sld [smem:$0x0];
	_ =	sdelay $0x2  }
0xba: {  	s31 =	sshll.u32 s1, $0xD;
	s1 =	sshrl.u32 s1, $0x2  }
0xbb: {  	s3 =	sand.u32 $0x4000, s31;
	s1 =	sadd.s32 s1, s30  }
0xbc: {  	s0 =	sor.u32 s3, s0;
	s1 =	sshll.u32 s1, $0x11  }
0xbd: {  	s0 =	sor.u32 s1, s0  }
0xbe: {  	s0 =	sadd.s32 $0x8F2B, s0  }
0xbf: {  	[sflag:s0] =	ssyncadd.remote.s32 $0x1  }
0xc0: {  	_ =	sfence.sel $0xFFFF  }
0xc1: {  	[dreg:$0x0] =	wrdreg $0xFFFFFFFF;
	(pc) =	sbr.abs _section_cstart, $3  }
0xc2: {  	[dreg:$0x1] =	wrdreg $0xFFFFFFFF  }
0xc3: {  	_ =	task.clear_ibuf [dreg:s7], $0x2FFFF;
	_ =	strace $0x9FFFFFFF  }
0xc4: {  	(tm) =	ssettm $0x7FFFFFFF  }
0xc5: {  	_ =	shalt  }
tec
execute0_lowered:
.L_overlay_start_1:
0x0: {  	(tag) =	ssettag $0x1  }
0x1: {  	s0 =	rddreg [dreg:$0x0]  }
0x2: {  	s1 =	srdreg.scid;
	s3 =	rddreg [dreg:$0x2]  }
0x3: {  	s13 =	stileid.u32;
	s4 =	rddreg [dreg:$0x3]  }
0x4: {  	s5 =	simm.s32 $0x0;
	s16 =	simm.s32 $0x64;
	s17 =	simm.s32 $0x5140  }
0x5: {  	s19 =	simm.s32 $0x5780;
	s20 =	simm.s32 $0xD0;
	s21 =	simm.s32 $0x5DC0  }
0x6: {  	s22 =	simm.s32 $0x138;
	s23 =	simm.s32 $0x6400;
	s24 =	simm.s32 $0x1  }
0x7: {  	s28 =	simm.s32 $0x4;
	s29 =	simm.s32 $0x4FA0;
	s30 =	simm.s32 $0x5008  }
0x8: {  	s31 =	simm.s32 $0x5070;
	s1 =	sand.u32 $0x1, s1;
	s8 =	smul.u32 $0x2800, s13  }
0x9: {  	s2 =	sshll.u32 s13, $0x1;
	[smem:$0x7FF] =	sst s5;
	s9 =	smul.u32 $0x2710, s13  }
0xa: {  	s26 =	sshll.u32 s13, $0x6;
	s2 =	sor.u32 s1, s2;
	s6 =	smul.u32 $0x28000, s1  }
0xb: {  	_ =	strace $0x8000004D;
	s1 =	ssub.s32 $0x2, s1;
	s13 =	sor.u32 $0x1C05, s26  }
0xc: {  	s26 =	simm.s32 $0x3;
	s2 =	smul.u32 $0x28A0, s2;
	s7 =	sshrl.u32 s9, $0x3  }
0xd: {  	s10 =	sshrl.u32 s1, $0x1;
	s25 =	sadd.s32 s8, s3;
	s12 =	sadd.s32 s9, s4  }
0xe: {  	s6 =	sadd.s32 s8, s6;
	s11 =	sadd.s32 s7, s0;
	s1 =	ssub.s32 s1, s10  }
0xf: {  	s14 =	sshrl.u32 s25, $0x3;
	s15 =	sshrl.u32 s12, $0x3;
	s25 =	simm.s32 $0x2  }
0x10: {  	s2 =	sshrl.u32 s2, $0x3;
	s6 =	sshrl.u32 s6, $0x3;
	s8 =	sadd.s32 $0x19800, s11  }
0x11: {  	s10 =	smax.u32 s1, $0x1;
	s11 =	simm.s32 $0x5;
	s2 =	sadd.s32 s2, s0  }
0x12: {  	s0 =	sadd.s32 s6, s0;
	s6 =	sadd.s32 $0x5200, s2;
	s7 =	sadd.s32 $0xF480, s2  }
0x13: {  	s9 =	sadd.s32 $0x1E800, s0;
	s2 =	simm.s32 $0x50D8;
	s0 =	simm.s32 $0x0  }
.LBB2_1:
0x14: {  	[tilespmem:s5], [sflag:$0x5] =	stream.linear.gather [hbm4b:s6+s5], $0x28A0, $0x38;
	[tilespmem:$0xB950] =	vst v63  }
0x15: {  	_ =	swait.ge [sflag:s11], $0x28A0  }
0x16: {  	[sflag:s11] =	ssyncset.done $0x0  }
0x17: {  	s1 =	simm.s32 $0x28A0;
	[sflag:s11] =	ssyncadd.s32 $0xFFFFD760  }
0x18: {  	[tilespmem:s1], [sflag:$0x5] =	stream.linear.gather [hbm4b:s7+s5], $0x28A0, $0x38;
	[tilespmem:$0xB950] =	vst v63  }
0x19: {  	_ =	swait.ge [sflag:s11], $0x28A0  }
0x1a: {  	[sflag:s11] =	ssyncset.done $0x0  }
0x1b: {  	[sflag:s11] =	ssyncadd.s32 $0xFFFFD760  }
0x1c: {  	s18 =	rddreg [dreg:$0x1]  }
0x1d: {  	[spmem:s14], [sflag:s13] =	dma.local [hbm:s18], $0x500  }
0x1e: {  	_ =	swait.ge [sflag:s11], $0x500  }
0x1f: {  	[sflag:s11] =	ssyncset.done $0x0  }
0x20: {  	[sflag:s11] =	ssyncadd.s32 $0xFFFFFB00  }
0x21: {  	[spmem:s15], [sflag:s13] =	dma.local [hbm:s8], $0x4E2  }
0x22: {  	_ =	swait.ge [sflag:s11], $0x4E2  }
0x23: {  	[sflag:s11] =	ssyncset.done $0x0  }
0x24: {  	[sflag:s11] =	ssyncadd.s32 $0xFFFFFB1E  }
0x25: {  	[bflag:$0x0] =	sbarrier.arrive $0xFFFF  }
0x26: {  	[tilespmem:s17], [sflag:$0x1] =	stream.indirect.gather [spmem:s4], $0x10, s5, s16, $0xb8;
	[tilespmem:$0xB950] =	vst v63  }
0x27: {  	s12 =	simm.s32 $0x68  }
0x28: {  	[tilespmem:s19], [sflag:$0x2] =	stream.indirect.gather [spmem:s4], $0x10, s12, s16, $0xb8;
	[tilespmem:$0xB950] =	vst v63  }
0x29: {  	_ = 	snop  }
0x2a: {  	[tilespmem:s21], [sflag:$0x3] =	stream.indirect.gather [spmem:s4], $0x10, s20, s16, $0xb8;
	[tilespmem:$0xB950] =	vst v63  }
0x2b: {  	_ = 	snop  }
0x2c: {  	[tilespmem:s23], [sflag:$0x4] =	stream.indirect.gather [spmem:s4], $0x10, s22, s16, $0xb8;
	[tilespmem:$0xB950] =	vst v63  }
0x2d: {  	_ =	swait.ge [sflag:s24], $0x640  }
0x2e: {  	[sflag:s24] =	ssyncset.done $0x0  }
0x2f: {  	s18 =	simm.s32 $0x28A0;
	[sflag:s24] =	ssyncadd.s32 $0xFFFFF9C0  }
0x30: {  	[spmem:s3] =	stream.indirect.scatter.add.f32 [tilespmem:s17], [sflag:$0x5], $0x10, s18, s16, $0xb8;
	[tilespmem:$0xB950] =	vst v63  }
0x31: {  	_ =	swait.ge [sflag:s11], $0x640  }
0x32: {  	[sflag:s11] =	ssyncset.done $0x0  }
0x33: {  	s12 =	simm.s32 $0x1A0;
	[sflag:s11] =	ssyncadd.s32 $0xFFFFF9C0  }
0x34: {  	[tilespmem:s17], [sflag:$0x1] =	stream.indirect.gather [spmem:s4], $0x10, s12, s16, $0xb8;
	[tilespmem:$0xB950] =	vst v63  }
0x35: {  	_ =	swait.ge [sflag:s25], $0x640  }
0x36: {  	[sflag:s25] =	ssyncset.done $0x0  }
0x37: {  	s18 =	simm.s32 $0x2908;
	[sflag:s25] =	ssyncadd.s32 $0xFFFFF9C0  }
0x38: {  	[spmem:s3] =	stream.indirect.scatter.add.f32 [tilespmem:s19], [sflag:$0x5], $0x10, s18, s16, $0xb8;
	[tilespmem:$0xB950] =	vst v63  }
0x39: {  	_ =	swait.ge [sflag:s11], $0x640  }
0x3a: {  	[sflag:s11] =	ssyncset.done $0x0  }
0x3b: {  	s12 =	simm.s32 $0x208;
	[sflag:s11] =	ssyncadd.s32 $0xFFFFF9C0  }
0x3c: {  	[tilespmem:s19], [sflag:$0x2] =	stream.indirect.gather [spmem:s4], $0x10, s12, s16, $0xb8;
	[tilespmem:$0xB950] =	vst v63  }
0x3d: {  	_ =	swait.ge [sflag:s26], $0x640  }
0x3e: {  	[sflag:s26] =	ssyncset.done $0x0  }
0x3f: {  	s18 =	simm.s32 $0x2970;
	[sflag:s26] =	ssyncadd.s32 $0xFFFFF9C0  }
0x40: {  	[spmem:s3] =	stream.indirect.scatter.add.f32 [tilespmem:s21], [sflag:$0x5], $0x10, s18, s16, $0xb8;
	[tilespmem:$0xB950] =	vst v63  }
0x41: {  	_ =	swait.ge [sflag:s11], $0x640  }
0x42: {  	[sflag:s11] =	ssyncset.done $0x0  }
0x43: {  	s12 =	simm.s32 $0x270;
	[sflag:s11] =	ssyncadd.s32 $0xFFFFF9C0  }
0x44: {  	[tilespmem:s21], [sflag:$0x3] =	stream.indirect.gather [spmem:s4], $0x10, s12, s16, $0xb8;
	[tilespmem:$0xB950] =	vst v63  }
0x45: {  	_ =	swait.ge [sflag:s28], $0x640  }
0x46: {  	[sflag:s28] =	ssyncset.done $0x0  }
0x47: {  	s18 =	simm.s32 $0x29D8;
	[sflag:s28] =	ssyncadd.s32 $0xFFFFF9C0  }
0x48: {  	[spmem:s3] =	stream.indirect.scatter.add.f32 [tilespmem:s23], [sflag:$0x5], $0x10, s18, s16, $0xb8;
	[tilespmem:$0xB950] =	vst v63  }
0x49: {  	_ =	swait.ge [sflag:s11], $0x640  }
0x4a: {  	[sflag:s11] =	ssyncset.done $0x0  }
0x4b: {  	s1 =	simm.s32 $0x680;
	s12 =	simm.s32 $0x2D8;
	[sflag:s11] =	ssyncadd.s32 $0xFFFFF9C0  }
.LBB2_2:
0x4c: {  	[tilespmem:s23], [sflag:$0x4] =	stream.indirect.gather [spmem:s4], $0x10, s12, s16, $0xb8;
	[tilespmem:$0xB950] =	vst v63  }
0x4d: {  	s12 =	smov.u32 s1  }
0x4e: {  	p0 =	sne.s32 s1, $0x9580;
	s1 =	sadd.s32 $0x680, s1;
	_ =	swait.ge [sflag:s24], $0x640  }
0x4f: {  	s12 =	sshra.s32 s12, $0x2;
	[sflag:s24] =	ssyncset.done $0x0  }
0x50: {  	s18 =	sadd.s32 $0x28A0, s12;
	[sflag:s24] =	ssyncadd.s32 $0xFFFFF9C0  }
0x51: {  	[spmem:s3] =	stream.indirect.scatter.add.f32 [tilespmem:s17], [sflag:$0x5], $0x10, s18, s16, $0xb8;
	[tilespmem:$0xB950] =	vst v63  }
0x52: {  	_ =	swait.ge [sflag:s11], $0x640  }
0x53: {  	[sflag:s11] =	ssyncset.done $0x0  }
0x54: {  	s18 =	sadd.s32 $0x1A0, s12;
	[sflag:s11] =	ssyncadd.s32 $0xFFFFF9C0  }
0x55: {  	[tilespmem:s17], [sflag:$0x1] =	stream.indirect.gather [spmem:s4], $0x10, s18, s16, $0xb8;
	[tilespmem:$0xB950] =	vst v63  }
0x56: {  	_ =	swait.ge [sflag:s25], $0x640  }
0x57: {  	[sflag:s25] =	ssyncset.done $0x0  }
0x58: {  	s18 =	sadd.s32 $0x2908, s12;
	[sflag:s25] =	ssyncadd.s32 $0xFFFFF9C0  }
0x59: {  	[spmem:s3] =	stream.indirect.scatter.add.f32 [tilespmem:s19], [sflag:$0x5], $0x10, s18, s16, $0xb8;
	[tilespmem:$0xB950] =	vst v63  }
0x5a: {  	_ =	swait.ge [sflag:s11], $0x640  }
0x5b: {  	[sflag:s11] =	ssyncset.done $0x0  }
0x5c: {  	s18 =	sadd.s32 $0x208, s12;
	[sflag:s11] =	ssyncadd.s32 $0xFFFFF9C0  }
0x5d: {  	[tilespmem:s19], [sflag:$0x2] =	stream.indirect.gather [spmem:s4], $0x10, s18, s16, $0xb8;
	[tilespmem:$0xB950] =	vst v63  }
0x5e: {  	_ =	swait.ge [sflag:s26], $0x640  }
0x5f: {  	[sflag:s26] =	ssyncset.done $0x0  }
0x60: {  	s18 =	sadd.s32 $0x2970, s12;
	[sflag:s26] =	ssyncadd.s32 $0xFFFFF9C0  }
0x61: {  	[spmem:s3] =	stream.indirect.scatter.add.f32 [tilespmem:s21], [sflag:$0x5], $0x10, s18, s16, $0xb8;
	[tilespmem:$0xB950] =	vst v63  }
0x62: {  	_ =	swait.ge [sflag:s11], $0x640  }
0x63: {  	[sflag:s11] =	ssyncset.done $0x0  }
0x64: {  	s18 =	sadd.s32 $0x270, s12;
	[sflag:s11] =	ssyncadd.s32 $0xFFFFF9C0  }
0x65: {  	[tilespmem:s21], [sflag:$0x3] =	stream.indirect.gather [spmem:s4], $0x10, s18, s16, $0xb8;
	[tilespmem:$0xB950] =	vst v63  }
0x66: {  	_ =	swait.ge [sflag:s28], $0x640  }
0x67: {  	[sflag:s28] =	ssyncset.done $0x0  }
.Ltmp0:
0x68: {  	s18 =	sadd.s32 $0x29D8, s12;
	[sflag:s28] =	ssyncadd.s32 $0xFFFFF9C0;
	(pc) =	sbr.rel @p0 .LBB2_2-.Ltmp0, $4  }
0x69: {  	[spmem:s3] =	stream.indirect.scatter.add.f32 [tilespmem:s23], [sflag:$0x5], $0x10, s18, s16, $0xb8;
	[tilespmem:$0xB950] =	vst v63  }
0x6a: {  	_ =	swait.ge [sflag:s11], $0x640  }
0x6b: {  	[sflag:s11] =	ssyncset.done $0x0  }
0x6c: {  	s12 =	sadd.s32 $0x2D8, s12;
	[sflag:s11] =	ssyncadd.s32 $0xFFFFF9C0  }
0x6d: {  	[tilespmem:s23], [sflag:$0x4] =	stream.indirect.gather [spmem:s4], $0x10, s12, s16, $0xb8;
	[tilespmem:$0xB950] =	vst v63  }
0x6e: {  	_ =	swait.ge [sflag:s24], $0x640  }
0x6f: {  	[sflag:s24] =	ssyncset.done $0x0  }
0x70: {  	[sflag:s24] =	ssyncadd.s32 $0xFFFFF9C0  }
0x71: {  	[spmem:s3] =	stream.indirect.scatter.add.f32 [tilespmem:s17], [sflag:$0x5], $0x10, s29, s16, $0xb8;
	[tilespmem:$0xB950] =	vst v63  }
0x72: {  	_ =	swait.ge [sflag:s11], $0x640  }
0x73: {  	[sflag:s11] =	ssyncset.done $0x0  }
0x74: {  	[sflag:s11] =	ssyncadd.s32 $0xFFFFF9C0  }
0x75: {  	_ =	swait.ge [sflag:s25], $0x640  }
0x76: {  	[sflag:s25] =	ssyncset.done $0x0  }
0x77: {  	[sflag:s25] =	ssyncadd.s32 $0xFFFFF9C0  }
0x78: {  	[spmem:s3] =	stream.indirect.scatter.add.f32 [tilespmem:s19], [sflag:$0x5], $0x10, s30, s16, $0xb8;
	[tilespmem:$0xB950] =	vst v63  }
0x79: {  	_ =	swait.ge [sflag:s11], $0x640  }
0x7a: {  	[sflag:s11] =	ssyncset.done $0x0  }
0x7b: {  	[sflag:s11] =	ssyncadd.s32 $0xFFFFF9C0  }
0x7c: {  	_ =	swait.ge [sflag:s26], $0x640  }
0x7d: {  	[sflag:s26] =	ssyncset.done $0x0  }
0x7e: {  	[sflag:s26] =	ssyncadd.s32 $0xFFFFF9C0  }
0x7f: {  	[spmem:s3] =	stream.indirect.scatter.add.f32 [tilespmem:s21], [sflag:$0x5], $0x10, s31, s16, $0xb8;
	[tilespmem:$0xB950] =	vst v63  }
0x80: {  	_ =	swait.ge [sflag:s11], $0x640  }
0x81: {  	[sflag:s11] =	ssyncset.done $0x0  }
0x82: {  	[sflag:s11] =	ssyncadd.s32 $0xFFFFF9C0  }
0x83: {  	_ =	swait.ge [sflag:s28], $0x640  }
0x84: {  	[sflag:s28] =	ssyncset.done $0x0  }
0x85: {  	[sflag:s28] =	ssyncadd.s32 $0xFFFFF9C0  }
0x86: {  	[spmem:s3] =	stream.indirect.scatter.add.f32 [tilespmem:s23], [sflag:$0x5], $0x10, s2, s16, $0xb8;
	[tilespmem:$0xB950] =	vst v63  }
0x87: {  	_ =	swait.ge [sflag:s11], $0x640  }
0x88: {  	s0 =	sadd.s32 $0x1, s0;
	[sflag:s11] =	ssyncset.done $0x0  }
0x89: {  	p0 =	sne.s32 s0, s10;
	[sflag:s11] =	ssyncadd.s32 $0xFFFFF9C0  }
.Ltmp1:
0x8a: {  	[bflag:$0x0] =	sbarrier.arrive $0xFFFF;
	(pc) =	sbr.rel @p0 .LBB2_1-.Ltmp1, $4  }
0x8b: {  	[hbm:s9], [sflag:s13] =	dma.local [spmem:s14], $0x500  }
0x8c: {  	_ =	swait.ge [sflag:s11], $0x500  }
0x8d: {  	[sflag:s11] =	ssyncset.done $0x0  }
0x8e: {  	[sflag:s11] =	ssyncadd.s32 $0xFFFFFB00  }
0x8f: {  	_ =	sfence.sel $0x180000  }
0x90: {  	[bflag:$0x0] =	sbarrier.arrive $0xFFFF  }
0x91: {  	_ =	strace $0x9000004D  }
0x92: {  	s0 =	stileid.u32;
	[bflag:$0x2] =	sbarrier.arrive $0xFFFF  }
0x93: {  	p0 =	sne.s32 s0, $0x0;
	s0 =	rddreg [dreg:$0x4]  }
0x94: {  	s0 =	sadd.s32 @!p0 $0x100000, s0  }
0x95: {  	[sflag:s0] =	ssyncadd.tile.s32 @!p0 $0x1;
	_ =	shalt  }
.Lfunc_end2:
_tile_overlayer_lowered:
.L_overlay_start_2:
0x96: {  	(tag) =	ssettag $0x2  }
0x97: {  	s0 =	rddreg [dreg:$0x0];
	s2 =	stileid.u32  }
0x98: {  	s1 =	rddreg [dreg:$0x1];
	p0 =	sne.s32 s2, $0x0  }
0x99: {  	s3 =	rddreg [dreg:$0x2];
	[bflag:$0x3] =	sbarrier.arrive $0xFFFF;
	s2 =	simm.s32 @!p0 $0x1C05  }
0x9a: {  	[timem:s3], [sflag:s2] =	dma.local @!p0 [hbm:s0], s1  }
0x9b: {  	s0 =	simm.s32 @!p0 $0x5  }
0x9c: {  	_ =	swait.ge @!p0 [sflag:s0], s1  }
0x9d: {  	s1 =	ssub.s32 @!p0 $0x0, s1;
	[sflag:s0] =	ssyncset.done @!p0 $0x0  }
0x9e: {  	[sflag:s0] =	ssyncadd.s32 @!p0 s1  }
0x9f: {  	[bflag:$0x3] =	sbarrier.arrive $0xFFFF  }
0xa0: {  	_ =	shalt  }

// kernel: kernel.8.cloned.1.call-start
scs
__scs_entry_jumppad:
0x0: {  	(pc) =	sbr.rel $0x88, $3  }
0x1: {  	(tag) =	ssettag $0x0;
	lr =	simm.s32 $0x1  }
0x2: {  	[smem:$0x3F9B] =	sst lr;
	_ =	strace $0xD0000000  }
0x3: {  	_ = 	snop  }
0x4: {  	_ = 	snop  }
0x5: {  	_ = 	snop  }
0x6: {  	_ = 	snop  }
0x7: {  	_ = 	snop  }
__scs_overlays_trampoline_lowered:
0x8: {  	[smem:$0x3FAA] =	sst s0  }
0x9: {  	[smem:$0x3FAB] =	sst s1  }
0xa: {  	[smem:$0x3FAC] =	sst s2  }
0xb: {  	[smem:$0x3FAD] =	sst s3  }
0xc: {  	[smem:$0x3FAE] =	sst s4  }
0xd: {  	[smem:$0x3FAF] =	sst s5  }
0xe: {  	[smem:$0x3FB0] =	sst s6  }
0xf: {  	[smem:$0x3FB1] =	sst s7  }
0x10: {  	[smem:$0x3FB2] =	sst s8  }
0x11: {  	[smem:$0x3FB3] =	sst s9;
	s0 =	simm.s32 @!p0 $0x0  }
0x12: {  	s1 =	sld [smem:$0x3F99];
	s0 =	simm.s32 @p0 $0x1  }
0x13: {  	[smem:$0x3FB4] =	sst s0;
	s0 =	simm.s32 @!p1 $0x0  }
0x14: {  	s2 =	sld [smem:$0x3F98];
	s0 =	simm.s32 @p1 $0x1  }
0x15: {  	[smem:$0x3FB5] =	sst s0;
	s0 =	simm.s32 @!p2 $0x0  }
0x16: {  	s3 =	sld [smem:$0x3FDB];
	s0 =	simm.s32 @p2 $0x1  }
0x17: {  	s4 =	simm.s32 $0x1BF5;
	[smem:$0x3FB7] =	sst s0  }
0x18: {  	s0 =	sld [smem:$0x3F9A];
	_ =	swait.ge [sflag:s4], $0x0  }
0x19: {  	s7 =	sld [smem:$0x3F9B]  }
0x1a: {  	s8 =	sadd.s32 $0xFFFFE003, lr  }
0x1b: {  	s9 =	sadd.s32 $0xFFFFFEF7, lr;
	s5 =	simm.s32 $0xFFFFFFFF;
	p2 =	slt.u32 s8, $0xFFFFF086  }
0x1c: {  	p1 =	slt.u32 s9, $0xF7A;
	s5 =	simm.s32 @!p2 $0x0  }
0x1d: {  	s5 =	simm.s32 @p1 $0x1;
	p0 =	seq.s32 s7, s2  }
0x1e: {  	s7 =	smul.u32 @!p0 $0xF7A, s2;
	p2 =	seq.s32 @!p0 s5, $0x0  }
0x1f: {  	s9 =	smul.u32 $0xF7A, s1;
	s8 =	simm.s32 @!p0 $0x1BF5;
	p2 =	por !p2, p0  }
0x20: {  	[sflag:s8] =	ssyncset.s32 @!p0 $0xFFFFF086;
	s6 =	sadd.s32 @!p0 s3, s7;
	s7 =	simm.s32 @!p0 $0x108  }
0x21: {  	s3 =	sadd.s32 s3, s9;
	s6 =	sadd.s32 @!p0 $0x88, s6;
	s7 =	simm.s32 @p2 $0x1082  }
0x22: {  	[simem:s7], [sflag:s8] =	dma.local @!p0 [hbm:s6], $0xF7A  }
0x23: {  	s9 =	sor.u32 $0xD0000000, s2;
	s6 =	simm.s32 $0x108;
	_ =	swait.ge @!p0 [sflag:s8], $0x0  }
0x24: {  	s3 =	sadd.s32 $0x88, s3;
	s6 =	simm.s32 @!p1 $0x1082;
	[sflag:s4] =	ssyncset.s32 $0xFFFFF086  }
0x25: {  	[simem:s6], [sflag:s4] =	dma.local [hbm:s3], $0xF7A  }
0x26: {  	[smem:$0x3F9B] =	sst s1;
	(tag) =	ssettag s2;
	_ =	strace s9  }
0x27: {  	s1 =	sld [smem:$0x3FAB]  }
0x28: {  	s2 =	sld [smem:$0x3FAC]  }
0x29: {  	s4 =	sld [smem:$0x3FAE]  }
0x2a: {  	p0 =	seq.s32 s5, $0x0;
	s5 =	sld [smem:$0x3FAF]  }
0x2b: {  	s6 =	sld [smem:$0x3FB0]  }
0x2c: {  	s7 =	sld [smem:$0x3FB1]  }
0x2d: {  	s3 =	simm.s32 $0x108;
	s8 =	sld [smem:$0x3FB2]  }
0x2e: {  	s3 =	simm.s32 @!p0 $0x1082;
	s9 =	sld [smem:$0x3FB3]  }
0x2f: {  	lr =	sadd.s32 s0, s3;
	s0 =	sld [smem:$0x3FAA]  }
0x30: {  	s3 =	sld [smem:$0x3FAD]  }
0x31: {  	[smem:$0x3FB6] =	sst s10  }
0x32: {  	s10 =	sld [smem:$0x3FB4];
	_ =	sdelay $0x3  }
0x33: {  	p0 =	seq.s32 s10, $0x1;
	s10 =	sld [smem:$0x3FB6];
	_ =	sdelay $0x3  }
0x34: {  	[smem:$0x3FB6] =	sst s10  }
0x35: {  	s10 =	sld [smem:$0x3FB5];
	_ =	sdelay $0x3  }
0x36: {  	p1 =	seq.s32 s10, $0x1;
	s10 =	sld [smem:$0x3FB6];
	_ =	sdelay $0x3  }
0x37: {  	[smem:$0x3FB6] =	sst s10  }
0x38: {  	s10 =	sld [smem:$0x3FB7]  }
0x39: {  	_ = 	snop;
	(pc) =	sbr.ind lr, $3  }
0x3a: {  	_ = 	snop  }
0x3b: {  	_ = 	snop  }
0x3c: {  	p2 =	seq.s32 s10, $0x1;
	s10 =	sld [smem:$0x3FB6]  }
0x3d: {  	_ =	shalt  }
0x3e: {  	_ =	shalt  }
0x3f: {  	_ =	shalt  }
0x40: {  	_ =	shalt  }
0x41: {  	_ =	shalt  }
0x42: {  	_ =	shalt  }
0x43: {  	_ =	shalt  }
0x44: {  	_ =	shalt  }
0x45: {  	_ =	shalt  }
0x46: {  	_ =	shalt  }
0x47: {  	_ =	shalt  }
0x48: {  	_ =	shalt  }
0x49: {  	_ =	shalt  }
0x4a: {  	_ =	shalt  }
0x4b: {  	_ =	shalt  }
0x4c: {  	_ =	shalt  }
0x4d: {  	_ =	shalt  }
0x4e: {  	_ =	shalt  }
0x4f: {  	_ =	shalt  }
0x50: {  	_ =	shalt  }
0x51: {  	_ =	shalt  }
0x52: {  	_ =	shalt  }
0x53: {  	_ =	shalt  }
0x54: {  	_ =	shalt  }
0x55: {  	_ =	shalt  }
0x56: {  	_ =	shalt  }
0x57: {  	_ =	shalt  }
0x58: {  	_ =	shalt  }
0x59: {  	_ =	shalt  }
0x5a: {  	_ =	shalt  }
0x5b: {  	_ =	shalt  }
0x5c: {  	_ =	shalt  }
0x5d: {  	_ =	shalt  }
0x5e: {  	_ =	shalt  }
0x5f: {  	_ =	shalt  }
0x60: {  	_ =	shalt  }
0x61: {  	_ =	shalt  }
0x62: {  	_ =	shalt  }
0x63: {  	_ =	shalt  }
0x64: {  	_ =	shalt  }
0x65: {  	_ =	shalt  }
0x66: {  	_ =	shalt  }
0x67: {  	_ =	shalt  }
0x68: {  	_ =	shalt  }
0x69: {  	_ =	shalt  }
0x6a: {  	_ =	shalt  }
0x6b: {  	_ =	shalt  }
0x6c: {  	_ =	shalt  }
0x6d: {  	_ =	shalt  }
0x6e: {  	_ =	shalt  }
0x6f: {  	_ =	shalt  }
0x70: {  	_ =	shalt  }
0x71: {  	_ =	shalt  }
0x72: {  	_ =	shalt  }
0x73: {  	_ =	shalt  }
0x74: {  	_ =	shalt  }
0x75: {  	_ =	shalt  }
0x76: {  	_ =	shalt  }
0x77: {  	_ =	shalt  }
0x78: {  	_ =	shalt  }
0x79: {  	_ =	shalt  }
0x7a: {  	_ =	shalt  }
0x7b: {  	_ =	shalt  }
0x7c: {  	_ =	shalt  }
0x7d: {  	_ =	shalt  }
0x7e: {  	_ =	shalt  }
0x7f: {  	_ =	shalt  }
0x80: {  	_ =	shalt  }
0x81: {  	_ =	shalt  }
0x82: {  	_ =	shalt  }
0x83: {  	_ =	shalt  }
0x84: {  	_ =	shalt  }
0x85: {  	_ =	shalt  }
0x86: {  	_ =	shalt  }
0x87: {  	_ =	shalt  }
.Lfunc_end0:
.L_simem_size_0:
called_computation_lowered:
.L_overlay_start_0:
0x88: {  	s2 =	sld [smem:$0x3FD9]  }
0x89: {  	s3 =	sld [smem:$0x3FFE];
	_ =	sdelay $0x1  }
0x8a: {  	s1 =	srdreg.scid  }
0x8b: {  	s0 =	sand.u32 $0x1, s1  }
0x8c: {  	s17 =	sshll.u32 s0, $0xA;
	s2 =	sadd.s32 s3, s2  }
0x8d: {  	s2 =	sadd.s32 s2, s17  }
0x8e: {  	[smem:$0x3FC2] =	sst s2  }
0x8f: {  	_ = 	snop  }
0x90: {  	s2 =	sld [smem:$0x3FD0];
	(tm) =	ssettm $0x1  }
0x91: {  	s18 =	sld [smem:$0x3FFB];
	_ =	sdelay $0x3  }
0x92: {  	_ =	strace s18  }
0x93: {  	s3 =	sld [smem:$0x3FFC];
	_ =	sdelay $0x3  }
0x94: {  	_ =	strace s3  }
0x95: {  	s3 =	sld [smem:$0x3FFD];
	_ =	sdelay $0x3  }
0x96: {  	_ =	strace s3  }
0x97: {  	_ =	strace $0x8FFFFFFF  }
0x98: {  	s19 =	sld [smem:$0x3FDB];
	_ =	sdelay $0x1  }
0x99: {  	s4 =	simm.s32 $_scs_section_size  }
0x9a: {  	s5 =	simm.s32 $_size__tile_overlayer_lowered;
	s6 =	simm.s32 $_tile_overlayer_lowered  }
0x9b: {  	s22 =	simm.s32 $0x1BFF;
	s21 =	sshll.u32 s6, $0x1;
	s3 =	sadd.s32 s4, s19  }
0x9c: {  	s7 =	simm.s32 $0x0;
	s20 =	sshll.u32 s5, $0x1;
	s5 =	sadd.s32 s21, s3  }
0x9d: {  	[timem:s7], [sflag:s22] =	dma.local [hbm:s5], s20  }
0x9e: {  	_ =	swait.ge [sflag:s22], s20  }
0x9f: {  	s4 =	ssub.s32 $0x0, s20;
	[sflag:s22] =	ssyncset.done $0x0  }
0xa0: {  	[sflag:s22] =	ssyncadd.s32 s4;
	_ =	sdelay $0x1  }
0xa1: {  	s23 =	simm.s32 $0x1B8B  }
0xa2: {  	_ =	swait.ge [sflag:s23], $0x1  }
0xa3: {  	[sflag:s23] =	ssyncset.done $0x0  }
0xa4: {  	s25 =	simm.s32 $0x1B8E;
	s24 =	sld [smem:$0x3FFE];
	[sflag:s23] =	ssyncadd.s32 $0xFFFFFFFF  }
0xa5: {  	s26 =	simm.s32 $execute0_lowered;
	[smem:$0x3FD2] =	sst s25  }
0xa6: {  	s5 =	sshll.u32 s26, $0x1;
	_ =	strace $0x80000046;
	[dreg:$0x1] =	wrdreg $0xFFFFFFFF  }
0xa7: {  	s28 =	simm.s32 $_size_execute0_lowered;
	s3 =	sadd.s32 s3, s5;
	[dreg:$0x0] =	wrdreg $0x0  }
0xa8: {  	s5 =	sshll.u32 s28, $0x1;
	[dreg:$0x2] =	wrdreg s3  }
0xa9: {  	[dreg:$0x3] =	wrdreg s5  }
0xaa: {  	[dreg:$0x4] =	wrdreg $0xC0  }
0xab: {  	_ =	task [dreg:s7], $0x5FFFF  }
0xac: {  	[dreg:$0x1] =	wrdreg $0xFFFFFFFF  }
0xad: {  	[dreg:$0x0] =	wrdreg $0x60  }
0xae: {  	[dreg:$0x2] =	wrdreg s24  }
0xaf: {  	[dreg:$0x3] =	wrdreg s2  }
0xb0: {  	[dreg:$0x4] =	wrdreg $0x2FD00  }
0xb1: {  	[dreg:$0x5] =	wrdreg $0x9  }
0xb2: {  	_ =	task.clear_ibuf [dreg:s7], $0x6FFFF;
	_ =	strace $0x90000046  }
0xb3: {  	s29 =	simm.s32 $0x9;
	_ =	strace $0x80000048  }
0xb4: {  	_ =	swait.ge [sflag:s29], $0x1  }
0xb5: {  	[sflag:s29] =	ssyncadd.s32 $0xFFFFFFFF  }
0xb6: {  	_ =	strace $0x90000048  }
0xb7: {  	_ =	sfence  }
0xb8: {  	s30 =	sld [smem:$0x0];
	_ =	sdelay $0x2  }
0xb9: {  	s31 =	sshll.u32 s1, $0xD;
	s1 =	sshrl.u32 s1, $0x2  }
0xba: {  	s3 =	sand.u32 $0x4000, s31;
	s1 =	sadd.s32 s1, s30  }
0xbb: {  	s0 =	sor.u32 s3, s0;
	s1 =	sshll.u32 s1, $0x11  }
0xbc: {  	s0 =	sor.u32 s1, s0  }
0xbd: {  	s0 =	sadd.s32 $0x8F2B, s0  }
0xbe: {  	[sflag:s0] =	ssyncadd.remote.s32 $0x1  }
0xbf: {  	_ =	sfence.sel $0xFFFF  }
0xc0: {  	[dreg:$0x0] =	wrdreg $0xFFFFFFFF;
	(pc) =	sbr.abs _section_cstart, $3  }
0xc1: {  	[dreg:$0x1] =	wrdreg $0xFFFFFFFF  }
0xc2: {  	_ =	task.clear_ibuf [dreg:s7], $0x2FFFF;
	_ =	strace $0x9FFFFFFF  }
0xc3: {  	(tm) =	ssettm $0x7FFFFFFF  }
tec
execute0_lowered:
.L_overlay_start_1:
0x0: {  	(tag) =	ssettag $0x1  }
0x1: {  	s6 =	rddreg [dreg:$0x0]  }
0x2: {  	s2 =	rddreg [dreg:$0x1]  }
0x3: {  	s3 =	rddreg [dreg:$0x2]  }
0x4: {  	s0 =	rddreg [dreg:$0x3];
	s4 =	srdreg.scid  }
0x5: {  	s1 =	stileid.u32;
	s13 =	simm.s32 $0x7D;
	s14 =	simm.s32 $0x80  }
0x6: {  	s15 =	simm.s32 $0x1;
	s16 =	simm.s32 $0x2;
	s17 =	simm.s32 $0x0  }
0x7: {  	s7 =	sand.u32 $0x1, s4;
	s8 =	smul.u32 $0x2800, s1;
	s5 =	sshll.u32 s1, $0x1  }
0x8: {  	s4 =	simm.s32 $0x0;
	s31 =	sshll.u32 s1, $0x6;
	s9 =	smul.u32 $0x28000, s7  }
0x9: {  	s5 =	sor.u32 s7, s5;
	[smem:$0x7FF] =	sst s4;
	s7 =	ssub.s32 $0x2, s7  }
0xa: {  	s10 =	smul.u32 $0x2800, s5;
	_ =	strace $0x80000047;
	s5 =	sadd.s32 $0x16800, s6  }
0xb: {  	s11 =	sshrl.u32 s7, $0x1;
	s12 =	sadd.s32 s8, s3;
	s9 =	sadd.s32 s8, s9  }
0xc: {  	s30 =	ssub.s32 s7, s11;
	s11 =	sor.u32 $0x1C03, s31;
	s12 =	sshrl.u32 s12, $0x3  }
0xd: {  	s9 =	sshrl.u32 s9, $0x3;
	s10 =	sshrl.u32 s10, $0x3;
	s8 =	smax.u32 s30, $0x1  }
0xe: {  	s9 =	sadd.s32 s9, s6;
	s6 =	sadd.s32 s6, s10;
	s10 =	simm.s32 $0x2800  }
0xf: {  	s6 =	sadd.s32 $0xC800, s6;
	s7 =	sadd.s32 $0x16A00, s9;
	s9 =	simm.s32 $0x3  }
.LBB2_1:
0x10: {  	[tilespmem:s4], [sflag:$0x3] =	stream.linear.gather [hbm4b:s6+s4], $0x2800, $0x38;
	[tilespmem:$0x57D0] =	vst v63  }
0x11: {  	_ =	swait.ge [sflag:s9], $0x2800  }
0x12: {  	[sflag:s9] =	ssyncset.done $0x0  }
0x13: {  	[sflag:s9] =	ssyncadd.s32 $0xFFFFD800  }
0x14: {  	[tilespmem:s10], [sflag:$0x3] =	stream.linear.gather [hbm4b:s5+s4], $0x7D0, $0x38;
	[tilespmem:$0x57D0] =	vst v63  }
0x15: {  	_ =	swait.ge [sflag:s9], $0x7D0  }
0x16: {  	[sflag:s9] =	ssyncset.done $0x0  }
0x17: {  	[sflag:s9] =	ssyncadd.s32 $0xFFFFF830  }
0x18: {  	[spmem:s12], [sflag:s11] =	dma.local [hbm:s2], $0x500  }
0x19: {  	_ =	swait.ge [sflag:s9], $0x500  }
0x1a: {  	[sflag:s9] =	ssyncset.done $0x0  }
0x1b: {  	[sflag:s9] =	ssyncadd.s32 $0xFFFFFB00  }
0x1c: {  	[bflag:$0x0] =	sbarrier.arrive $0xFFFF  }
0x1d: {  	[spmem:s3] =	stream.indirect.scatter.add.f32 [tilespmem:s10], [sflag:$0x1], $0x10, s4, s13, $0xb8;
	[tilespmem:$0x57D0] =	vst v63  }
0x1e: {  	_ = 	snop  }
0x1f: {  	[spmem:s3] =	stream.indirect.scatter.add.f32 [tilespmem:s10], [sflag:$0x2], $0x10, s14, s13, $0xb8;
	[tilespmem:$0x57D0] =	vst v63  }
0x20: {  	_ =	swait.ge [sflag:s15], $0x7D0  }
0x21: {  	[sflag:s15] =	ssyncset.done $0x0  }
0x22: {  	s18 =	simm.s32 $0x100;
	[sflag:s15] =	ssyncadd.s32 $0xFFFFF830  }
0x23: {  	[spmem:s3] =	stream.indirect.scatter.add.f32 [tilespmem:s10], [sflag:$0x1], $0x10, s18, s13, $0xb8;
	[tilespmem:$0x57D0] =	vst v63  }
0x24: {  	_ =	swait.ge [sflag:s16], $0x7D0  }
0x25: {  	[sflag:s16] =	ssyncset.done $0x0  }
0x26: {  	s19 =	simm.s32 $0x180;
	s18 =	simm.s32 $0xFFFF6800;
	[sflag:s16] =	ssyncadd.s32 $0xFFFFF830  }
.LBB2_2:
0x27: {  	[spmem:s3] =	stream.indirect.scatter.add.f32 [tilespmem:s10], [sflag:$0x2], $0x10, s19, s13, $0xb8;
	[tilespmem:$0x57D0] =	vst v63  }
0x28: {  	s19 =	smov.u32 s18  }
0x29: {  	p0 =	sne.s32 s18, $0xFFFFFC00;
	s18 =	sadd.s32 $0x400, s18;
	_ =	swait.ge [sflag:s15], $0x7D0  }
0x2a: {  	s19 =	sshra.s32 s19, $0x2;
	[sflag:s15] =	ssyncset.done $0x0  }
.Ltmp0:
0x2b: {  	s20 =	sadd.s32 $0x2800, s19;
	[sflag:s15] =	ssyncadd.s32 $0xFFFFF830;
	(pc) =	sbr.rel @p0 .LBB2_2-.Ltmp0, $4  }
0x2c: {  	[spmem:s3] =	stream.indirect.scatter.add.f32 [tilespmem:s10], [sflag:$0x1], $0x10, s20, s13, $0xb8;
	[tilespmem:$0x57D0] =	vst v63  }
0x2d: {  	_ =	swait.ge [sflag:s16], $0x7D0  }
0x2e: {  	[sflag:s16] =	ssyncset.done $0x0  }
0x2f: {  	s19 =	sadd.s32 $0x2880, s19;
	[sflag:s16] =	ssyncadd.s32 $0xFFFFF830  }
0x30: {  	[spmem:s3] =	stream.indirect.scatter.add.f32 [tilespmem:s10], [sflag:$0x2], $0x10, s19, s13, $0xb8;
	[tilespmem:$0x57D0] =	vst v63  }
0x31: {  	_ =	swait.ge [sflag:s15], $0x7D0  }
0x32: {  	[sflag:s15] =	ssyncset.done $0x0  }
0x33: {  	[sflag:s15] =	ssyncadd.s32 $0xFFFFF830  }
0x34: {  	_ =	swait.ge [sflag:s16], $0x7D0  }
0x35: {  	s17 =	sadd.s32 $0x1, s17;
	[sflag:s16] =	ssyncset.done $0x0  }
0x36: {  	p0 =	sne.s32 s17, s8;
	[sflag:s16] =	ssyncadd.s32 $0xFFFFF830  }
.Ltmp1:
0x37: {  	[bflag:$0x0] =	sbarrier.arrive $0xFFFF;
	(pc) =	sbr.rel @p0 .LBB2_1-.Ltmp1, $4  }
0x38: {  	[hbm:s7], [sflag:s11] =	dma.local [spmem:s12], $0x500  }
0x39: {  	_ =	swait.ge [sflag:s9], $0x500  }
0x3a: {  	[sflag:s9] =	ssyncset.done $0x0  }
0x3b: {  	[sflag:s9] =	ssyncadd.s32 $0xFFFFFB00  }
0x3c: {  	_ =	sfence.sel $0x180000  }
0x3d: {  	[bflag:$0x0] =	sbarrier.arrive $0xFFFF  }
0x3e: {  	p0 =	sne.s32 s1, $0x0;
	_ =	strace $0x90000047  }
0x3f: {  	s0 =	sadd.s32 @!p0 $0x100000, s0;
	[bflag:$0x2] =	sbarrier.arrive $0xFFFF  }
0x40: {  	[sflag:s0] =	ssyncadd.tile.s32 @!p0 $0x1;
	_ =	shalt  }
.Lfunc_end2:
_tile_overlayer_lowered:
.L_overlay_start_2:
0x41: {  	(tag) =	ssettag $0x2  }
0x42: {  	s0 =	rddreg [dreg:$0x0];
	s2 =	stileid.u32  }
0x43: {  	s1 =	rddreg [dreg:$0x1];
	p0 =	sne.s32 s2, $0x0  }
0x44: {  	s3 =	rddreg [dreg:$0x2];
	[bflag:$0x3] =	sbarrier.arrive $0xFFFF;
	s2 =	simm.s32 @!p0 $0x1C03  }
0x45: {  	[timem:s3], [sflag:s2] =	dma.local @!p0 [hbm:s0], s1  }
0x46: {  	s0 =	simm.s32 @!p0 $0x3  }
0x47: {  	_ =	swait.ge @!p0 [sflag:s0], s1  }
0x48: {  	s1 =	ssub.s32 @!p0 $0x0, s1;
	[sflag:s0] =	ssyncset.done @!p0 $0x0  }
0x49: {  	[sflag:s0] =	ssyncadd.s32 @!p0 s1  }
0x4a: {  	[bflag:$0x3] =	sbarrier.arrive $0xFFFF  }
0x4b: {  	_ =	shalt  }

</sc_bundles>
